<compile_context>
chip_gen: v7x
topology: tpu7x:2x2x1
jax: 0.10.2.dev20260603
libtpu: 0.0.44.dev20260713+nightly
codegen_flags: <defaults>
</compile_context>

<pallas_src>
import functools

import jax
import jax.numpy as jnp
from jax import lax
from jax.experimental import pallas as pl
from jax.experimental.pallas import tpu as pltpu
from jax.experimental.pallas import tpu_sc as plsc

_CHUNK = 8
_NBUF = 8


@functools.lru_cache(maxsize=None)
def _build(B: int, dim: int):
    info = plsc.get_sparse_core_info()
    nc, ns = info.num_cores, info.num_subcores
    nw = nc * ns
    assert B % (nw * _CHUNK * _NBUF) == 0
    b_per_w = B // nw
    g_total = b_per_w // _CHUNK

    mesh = plsc.VectorSubcoreMesh(core_axis_name="c", subcore_axis_name="s")

    @functools.partial(
        pl.kernel,
        mesh=mesh,
        out_type=jax.ShapeDtypeStruct((B, dim), jnp.float32),
        scratch_types=[
            pltpu.VMEM((b_per_w,), jnp.int32),
            *[pltpu.VMEM((_CHUNK, dim), jnp.float32) for _ in range(_NBUF)],
            *[pltpu.SemaphoreType.DMA for _ in range(2 * _NBUF)],
        ],
    )
    def k(pos_hbm, table_hbm, out_hbm, idx_v, *rest):
        bufs = rest[:_NBUF]
        gsem = rest[_NBUF : 2 * _NBUF]
        ssem = rest[2 * _NBUF :]

        wid = lax.axis_index("s") * nc + lax.axis_index("c")
        base = wid * b_per_w
        pltpu.sync_copy(pos_hbm.at[pl.ds(base, b_per_w)], idx_v)

        def gather(g, b):
            return pltpu.make_async_copy(
                table_hbm.at[idx_v.at[pl.ds(g * _CHUNK, _CHUNK)]],
                bufs[b],
                gsem[b],
            )

        def scatter(g, b):
            return pltpu.make_async_copy(
                bufs[b],
                out_hbm.at[pl.ds(base + g * _CHUNK, _CHUNK)],
                ssem[b],
            )

        for b in range(_NBUF):
            gather(b, b).start()

        def body(o, carry):
            for b in range(_NBUF):
                g = o * _NBUF + b
                gather(g, b).wait()
                scatter(g, b).start()
                scatter(g, b).wait()
                gather(g + _NBUF, b).start()
            return carry

        lax.fori_loop(0, g_total // _NBUF - 1, body, 0)

        for b in range(_NBUF):
            g = g_total - _NBUF + b
            gather(g, b).wait()
            scatter(g, b).start()
        for b in range(_NBUF):
            scatter(g_total - _NBUF + b, b).wait()

    return k


def kernel(pos, pe_weight):
    b, s = pos.shape
    idx = pos.reshape(-1).astype(jnp.int32)
    out = _build(b * s, pe_weight.shape[1])(idx, pe_weight)
    return out.reshape(b, s, pe_weight.shape[1])

# --- scband reference (transcript-rebuilt; emitter-appended) ---
"""Pipeline reference for scband-positional-encoding-17678085390527 (READ-ONLY COPY).

The authoritative reference and input builder live on the scoring server;
editing this copy changes nothing except your own understanding.
"""

import jax, jax.numpy as jnp
import numpy as np

DIM = 1024
MAX_SEQ_LEN = 8192
BATCH = 4
SEQ = 8192

def setup_inputs(seed: int = 0) -> dict:
    key = jax.random.key(seed)
    k_pos, k_w = jax.random.split(key)
    pos = jax.random.randint(k_pos, (BATCH, SEQ), 0, MAX_SEQ_LEN, dtype=jnp.int64 if jax.config.jax_enable_x64 else jnp.int32)
    # nn.Embedding default init is N(0,1); note from_pretrained in the torch
    # code is a classmethod whose return value is discarded, so the module
    # actually uses the randomly-initialized embedding table at runtime.
    pe_weight = jax.random.normal(k_w, (MAX_SEQ_LEN, DIM), dtype=jnp.float32)
    return {"pos": pos, "pe_weight": pe_weight}

def reference(pos, pe_weight):
    # embedding lookup: gather rows of the table by position index
    return jnp.take(pe_weight, pos, axis=0)

if __name__ == "__main__":
    import jax
    _d = setup_inputs()
    print(jax.jit(kernel)(*tuple(_d.values())))

</pallas_src>

<mosaic_0001>
#map = affine_map<(d0, d1) -> (0)>
#map1 = affine_map<(d0, d1) -> (0, 0)>
module attributes {stable_mosaic.version = 14 : i64} {
  func.func @k(%arg0: i32, %arg1: i32, %arg2: memref<32768xi32, #tpu.memory_space<hbm>>, %arg3: memref<8192x1024xf32, #tpu.memory_space<hbm>>, %arg4: memref<32768x1024xf32, #tpu.memory_space<hbm>>, %arg5: memref<1024xi32, #tpu.memory_space<vmem>>, %arg6: memref<8x1024xf32, #tpu.memory_space<vmem>>, %arg7: memref<8x1024xf32, #tpu.memory_space<vmem>>, %arg8: memref<8x1024xf32, #tpu.memory_space<vmem>>, %arg9: memref<8x1024xf32, #tpu.memory_space<vmem>>, %arg10: memref<8x1024xf32, #tpu.memory_space<vmem>>, %arg11: memref<8x1024xf32, #tpu.memory_space<vmem>>, %arg12: memref<8x1024xf32, #tpu.memory_space<vmem>>, %arg13: memref<8x1024xf32, #tpu.memory_space<vmem>>, %arg14: memref<!tpu.dma_semaphore, #tpu.memory_space<semaphore_mem>>, %arg15: memref<!tpu.dma_semaphore, #tpu.memory_space<semaphore_mem>>, %arg16: memref<!tpu.dma_semaphore, #tpu.memory_space<semaphore_mem>>, %arg17: memref<!tpu.dma_semaphore, #tpu.memory_space<semaphore_mem>>, %arg18: memref<!tpu.dma_semaphore, #tpu.memory_space<semaphore_mem>>, %arg19: memref<!tpu.dma_semaphore, #tpu.memory_space<semaphore_mem>>, %arg20: memref<!tpu.dma_semaphore, #tpu.memory_space<semaphore_mem>>, %arg21: memref<!tpu.dma_semaphore, #tpu.memory_space<semaphore_mem>>, %arg22: memref<!tpu.dma_semaphore, #tpu.memory_space<semaphore_mem>>, %arg23: memref<!tpu.dma_semaphore, #tpu.memory_space<semaphore_mem>>, %arg24: memref<!tpu.dma_semaphore, #tpu.memory_space<semaphore_mem>>, %arg25: memref<!tpu.dma_semaphore, #tpu.memory_space<semaphore_mem>>, %arg26: memref<!tpu.dma_semaphore, #tpu.memory_space<semaphore_mem>>, %arg27: memref<!tpu.dma_semaphore, #tpu.memory_space<semaphore_mem>>, %arg28: memref<!tpu.dma_semaphore, #tpu.memory_space<semaphore_mem>>, %arg29: memref<!tpu.dma_semaphore, #tpu.memory_space<semaphore_mem>>) attributes {dimension_semantics = [#tpu.dimension_semantics<core_parallel>, #tpu.dimension_semantics<subcore_parallel>], iteration_bounds = array<i64: 2, 16>, scalar_prefetch = 0 : i64, scratch_operands = 25 : i64, tpu.core_type = #tpu.core_type<sc_vector_subcore>, window_params = [{transform_indices = #map}, {transform_indices = #map1}, {transform_indices = #map1}]} {
    %mul3A = arith.constant 2 : i32
    %mul3A_0 = arith.muli %arg1, %mul3A : i32
    %add3A = arith.addi %mul3A_0, %arg0 : i32
    %mul3A_1 = arith.constant 1024 : i32
    %mul3A_2 = arith.muli %add3A, %mul3A_1 : i32
    "tpu.region"() ({
      %run_scoped3A = tpu.sem_alloc : memref<!tpu.dma_semaphore, #tpu.memory_space<semaphore_mem>>
      %dma_start3A_182 = tpu.memref_slice %arg2[%mul3A_2] : memref<32768xi32, #tpu.memory_space<hbm>> -> memref<1024xi32, #tpu.memory_space<hbm>>
      %dma_start3A_183 = tpu.memref_slice %arg2[%mul3A_2] : memref<32768xi32, #tpu.memory_space<hbm>> -> memref<1024xi32, #tpu.memory_space<hbm>>
      tpu.enqueue_dma source(%dma_start3A_183 : memref<1024xi32, #tpu.memory_space<hbm>>) target(%arg5 : memref<1024xi32, #tpu.memory_space<vmem>>) target_semaphore(%run_scoped3A : memref<!tpu.dma_semaphore, #tpu.memory_space<semaphore_mem>>)
      %dma_wait3A_184 = tpu.memref_slice %arg2[%mul3A_2] : memref<32768xi32, #tpu.memory_space<hbm>> -> memref<1024xi32, #tpu.memory_space<hbm>>
      %dma_wait3A_185 = tpu.memref_slice %arg2[%mul3A_2] : memref<32768xi32, #tpu.memory_space<hbm>> -> memref<1024xi32, #tpu.memory_space<hbm>>
      tpu.wait_dma2 semaphore(%run_scoped3A : memref<!tpu.dma_semaphore, #tpu.memory_space<semaphore_mem>>) src(%dma_wait3A_185 : memref<1024xi32, #tpu.memory_space<hbm>>) dst(%arg5 : memref<1024xi32, #tpu.memory_space<vmem>>)
      tpu.yield
    }) : () -> ()
    %dma_start3A = arith.constant 0 : i32
    %dma_start3A_3 = tpu.memref_slice %arg5[%dma_start3A] : memref<1024xi32, #tpu.memory_space<vmem>> -> memref<8xi32, #tpu.memory_space<vmem>>
    %dma_start3A_4 = arith.constant 0 : i32
    %dma_start3A_5 = arith.constant 0 : i32
    %dma_start3A_6 = tpu.memref_slice %arg3[%dma_start3A_4, %dma_start3A_5] : memref<8192x1024xf32, #tpu.memory_space<hbm>> -> memref<8192x1024xf32, #tpu.memory_space<hbm>>
    tpu.enqueue_indirect_dma source(%dma_start3A_6 : memref<8192x1024xf32, #tpu.memory_space<hbm>>) target(%arg6 : memref<8x1024xf32, #tpu.memory_space<vmem>>) offsets(%dma_start3A_3 : memref<8xi32, #tpu.memory_space<vmem>>) semaphore(%arg14 : memref<!tpu.dma_semaphore, #tpu.memory_space<semaphore_mem>>)
    %dma_start3A_7 = arith.constant 8 : i32
    %dma_start3A_8 = tpu.memref_slice %arg5[%dma_start3A_7] : memref<1024xi32, #tpu.memory_space<vmem>> -> memref<8xi32, #tpu.memory_space<vmem>>
    %dma_start3A_9 = arith.constant 0 : i32
    %dma_start3A_10 = arith.constant 0 : i32
    %dma_start3A_11 = tpu.memref_slice %arg3[%dma_start3A_9, %dma_start3A_10] : memref<8192x1024xf32, #tpu.memory_space<hbm>> -> memref<8192x1024xf32, #tpu.memory_space<hbm>>
    tpu.enqueue_indirect_dma source(%dma_start3A_11 : memref<8192x1024xf32, #tpu.memory_space<hbm>>) target(%arg7 : memref<8x1024xf32, #tpu.memory_space<vmem>>) offsets(%dma_start3A_8 : memref<8xi32, #tpu.memory_space<vmem>>) semaphore(%arg15 : memref<!tpu.dma_semaphore, #tpu.memory_space<semaphore_mem>>)
    %dma_start3A_12 = arith.constant 16 : i32
    %dma_start3A_13 = tpu.memref_slice %arg5[%dma_start3A_12] : memref<1024xi32, #tpu.memory_space<vmem>> -> memref<8xi32, #tpu.memory_space<vmem>>
    %dma_start3A_14 = arith.constant 0 : i32
    %dma_start3A_15 = arith.constant 0 : i32
    %dma_start3A_16 = tpu.memref_slice %arg3[%dma_start3A_14, %dma_start3A_15] : memref<8192x1024xf32, #tpu.memory_space<hbm>> -> memref<8192x1024xf32, #tpu.memory_space<hbm>>
    tpu.enqueue_indirect_dma source(%dma_start3A_16 : memref<8192x1024xf32, #tpu.memory_space<hbm>>) target(%arg8 : memref<8x1024xf32, #tpu.memory_space<vmem>>) offsets(%dma_start3A_13 : memref<8xi32, #tpu.memory_space<vmem>>) semaphore(%arg16 : memref<!tpu.dma_semaphore, #tpu.memory_space<semaphore_mem>>)
    %dma_start3A_17 = arith.constant 24 : i32
    %dma_start3A_18 = tpu.memref_slice %arg5[%dma_start3A_17] : memref<1024xi32, #tpu.memory_space<vmem>> -> memref<8xi32, #tpu.memory_space<vmem>>
    %dma_start3A_19 = arith.constant 0 : i32
    %dma_start3A_20 = arith.constant 0 : i32
    %dma_start3A_21 = tpu.memref_slice %arg3[%dma_start3A_19, %dma_start3A_20] : memref<8192x1024xf32, #tpu.memory_space<hbm>> -> memref<8192x1024xf32, #tpu.memory_space<hbm>>
    tpu.enqueue_indirect_dma source(%dma_start3A_21 : memref<8192x1024xf32, #tpu.memory_space<hbm>>) target(%arg9 : memref<8x1024xf32, #tpu.memory_space<vmem>>) offsets(%dma_start3A_18 : memref<8xi32, #tpu.memory_space<vmem>>) semaphore(%arg17 : memref<!tpu.dma_semaphore, #tpu.memory_space<semaphore_mem>>)
    %dma_start3A_22 = arith.constant 32 : i32
    %dma_start3A_23 = tpu.memref_slice %arg5[%dma_start3A_22] : memref<1024xi32, #tpu.memory_space<vmem>> -> memref<8xi32, #tpu.memory_space<vmem>>
    %dma_start3A_24 = arith.constant 0 : i32
    %dma_start3A_25 = arith.constant 0 : i32
    %dma_start3A_26 = tpu.memref_slice %arg3[%dma_start3A_24, %dma_start3A_25] : memref<8192x1024xf32, #tpu.memory_space<hbm>> -> memref<8192x1024xf32, #tpu.memory_space<hbm>>
    tpu.enqueue_indirect_dma source(%dma_start3A_26 : memref<8192x1024xf32, #tpu.memory_space<hbm>>) target(%arg10 : memref<8x1024xf32, #tpu.memory_space<vmem>>) offsets(%dma_start3A_23 : memref<8xi32, #tpu.memory_space<vmem>>) semaphore(%arg18 : memref<!tpu.dma_semaphore, #tpu.memory_space<semaphore_mem>>)
    %dma_start3A_27 = arith.constant 40 : i32
    %dma_start3A_28 = tpu.memref_slice %arg5[%dma_start3A_27] : memref<1024xi32, #tpu.memory_space<vmem>> -> memref<8xi32, #tpu.memory_space<vmem>>
    %dma_start3A_29 = arith.constant 0 : i32
    %dma_start3A_30 = arith.constant 0 : i32
    %dma_start3A_31 = tpu.memref_slice %arg3[%dma_start3A_29, %dma_start3A_30] : memref<8192x1024xf32, #tpu.memory_space<hbm>> -> memref<8192x1024xf32, #tpu.memory_space<hbm>>
    tpu.enqueue_indirect_dma source(%dma_start3A_31 : memref<8192x1024xf32, #tpu.memory_space<hbm>>) target(%arg11 : memref<8x1024xf32, #tpu.memory_space<vmem>>) offsets(%dma_start3A_28 : memref<8xi32, #tpu.memory_space<vmem>>) semaphore(%arg19 : memref<!tpu.dma_semaphore, #tpu.memory_space<semaphore_mem>>)
    %dma_start3A_32 = arith.constant 48 : i32
    %dma_start3A_33 = tpu.memref_slice %arg5[%dma_start3A_32] : memref<1024xi32, #tpu.memory_space<vmem>> -> memref<8xi32, #tpu.memory_space<vmem>>
    %dma_start3A_34 = arith.constant 0 : i32
    %dma_start3A_35 = arith.constant 0 : i32
    %dma_start3A_36 = tpu.memref_slice %arg3[%dma_start3A_34, %dma_start3A_35] : memref<8192x1024xf32, #tpu.memory_space<hbm>> -> memref<8192x1024xf32, #tpu.memory_space<hbm>>
    tpu.enqueue_indirect_dma source(%dma_start3A_36 : memref<8192x1024xf32, #tpu.memory_space<hbm>>) target(%arg12 : memref<8x1024xf32, #tpu.memory_space<vmem>>) offsets(%dma_start3A_33 : memref<8xi32, #tpu.memory_space<vmem>>) semaphore(%arg20 : memref<!tpu.dma_semaphore, #tpu.memory_space<semaphore_mem>>)
    %dma_start3A_37 = arith.constant 56 : i32
    %dma_start3A_38 = tpu.memref_slice %arg5[%dma_start3A_37] : memref<1024xi32, #tpu.memory_space<vmem>> -> memref<8xi32, #tpu.memory_space<vmem>>
    %dma_start3A_39 = arith.constant 0 : i32
    %dma_start3A_40 = arith.constant 0 : i32
    %dma_start3A_41 = tpu.memref_slice %arg3[%dma_start3A_39, %dma_start3A_40] : memref<8192x1024xf32, #tpu.memory_space<hbm>> -> memref<8192x1024xf32, #tpu.memory_space<hbm>>
    tpu.enqueue_indirect_dma source(%dma_start3A_41 : memref<8192x1024xf32, #tpu.memory_space<hbm>>) target(%arg13 : memref<8x1024xf32, #tpu.memory_space<vmem>>) offsets(%dma_start3A_38 : memref<8xi32, #tpu.memory_space<vmem>>) semaphore(%arg21 : memref<!tpu.dma_semaphore, #tpu.memory_space<semaphore_mem>>)
    %scan3A = arith.constant 0 : i32
    %scan3A_42 = arith.constant 0 : i32
    %scan3A_43 = arith.constant 15 : i32
    %scan3A_44 = arith.addi %scan3A_42, %scan3A_43 : i32
    %scan3A_45 = arith.constant 1 : i32
    scf.for %scan3A_182 = %scan3A_42 to %scan3A_44 step %scan3A_45  : i32 {
      %mul3A_183 = arith.constant 8 : i32
      %mul3A_184 = arith.muli %scan3A_182, %mul3A_183 : i32
      %add3A_185 = arith.constant 0 : i32
      %add3A_186 = arith.addi %mul3A_184, %add3A_185 : i32
      %mul3A_187 = arith.constant 8 : i32
      %mul3A_188 = arith.muli %add3A_186, %mul3A_187 : i32
      %dma_wait3A_189 = tpu.memref_slice %arg5[%mul3A_188] : memref<1024xi32, #tpu.memory_space<vmem>> -> memref<8xi32, #tpu.memory_space<vmem>>
      %dma_wait3A_190 = arith.constant 0 : i32
      %dma_wait3A_191 = arith.constant 0 : i32
      %dma_wait3A_192 = tpu.memref_slice %arg3[%dma_wait3A_190, %dma_wait3A_191] : memref<8192x1024xf32, #tpu.memory_space<hbm>> -> memref<8192x1024xf32, #tpu.memory_space<hbm>>
      tpu.wait_indirect_dma semaphore(%arg14 : memref<!tpu.dma_semaphore, #tpu.memory_space<semaphore_mem>>) src(%dma_wait3A_192 : memref<8192x1024xf32, #tpu.memory_space<hbm>>) dst(%arg6 : memref<8x1024xf32, #tpu.memory_space<vmem>>)
      %mul3A_193 = arith.constant 8 : i32
      %mul3A_194 = arith.muli %add3A_186, %mul3A_193 : i32
      %add3A_195 = arith.addi %mul3A_2, %mul3A_194 : i32
      %dma_start3A_196 = arith.constant 0 : i32
      %dma_start3A_197 = tpu.memref_slice %arg4[%add3A_195, %dma_start3A_196] : memref<32768x1024xf32, #tpu.memory_space<hbm>> -> memref<8x1024xf32, #tpu.memory_space<hbm>>
      %dma_start3A_198 = arith.constant 0 : i32
      %dma_start3A_199 = tpu.memref_slice %arg4[%add3A_195, %dma_start3A_198] : memref<32768x1024xf32, #tpu.memory_space<hbm>> -> memref<8x1024xf32, #tpu.memory_space<hbm>>
      tpu.enqueue_dma source(%arg6 : memref<8x1024xf32, #tpu.memory_space<vmem>>) target(%dma_start3A_199 : memref<8x1024xf32, #tpu.memory_space<hbm>>) target_semaphore(%arg22 : memref<!tpu.dma_semaphore, #tpu.memory_space<semaphore_mem>>)
      %mul3A_200 = arith.constant 8 : i32
      %mul3A_201 = arith.muli %add3A_186, %mul3A_200 : i32
      %add3A_202 = arith.addi %mul3A_2, %mul3A_201 : i32
      %dma_wait3A_203 = arith.constant 0 : i32
      %dma_wait3A_204 = tpu.memref_slice %arg4[%add3A_202, %dma_wait3A_203] : memref<32768x1024xf32, #tpu.memory_space<hbm>> -> memref<8x1024xf32, #tpu.memory_space<hbm>>
      %dma_wait3A_205 = arith.constant 0 : i32
      %dma_wait3A_206 = tpu.memref_slice %arg4[%add3A_202, %dma_wait3A_205] : memref<32768x1024xf32, #tpu.memory_space<hbm>> -> memref<8x1024xf32, #tpu.memory_space<hbm>>
      tpu.wait_dma2 semaphore(%arg22 : memref<!tpu.dma_semaphore, #tpu.memory_space<semaphore_mem>>) src(%arg6 : memref<8x1024xf32, #tpu.memory_space<vmem>>) dst(%dma_wait3A_206 : memref<8x1024xf32, #tpu.memory_space<hbm>>)
      %add3A_207 = arith.constant 8 : i32
      %add3A_208 = arith.addi %add3A_186, %add3A_207 : i32
      %mul3A_209 = arith.constant 8 : i32
      %mul3A_210 = arith.muli %add3A_208, %mul3A_209 : i32
      %dma_start3A_211 = tpu.memref_slice %arg5[%mul3A_210] : memref<1024xi32, #tpu.memory_space<vmem>> -> memref<8xi32, #tpu.memory_space<vmem>>
      %dma_start3A_212 = arith.constant 0 : i32
      %dma_start3A_213 = arith.constant 0 : i32
      %dma_start3A_214 = tpu.memref_slice %arg3[%dma_start3A_212, %dma_start3A_213] : memref<8192x1024xf32, #tpu.memory_space<hbm>> -> memref<8192x1024xf32, #tpu.memory_space<hbm>>
      tpu.enqueue_indirect_dma source(%dma_start3A_214 : memref<8192x1024xf32, #tpu.memory_space<hbm>>) target(%arg6 : memref<8x1024xf32, #tpu.memory_space<vmem>>) offsets(%dma_start3A_211 : memref<8xi32, #tpu.memory_space<vmem>>) semaphore(%arg14 : memref<!tpu.dma_semaphore, #tpu.memory_space<semaphore_mem>>)
      %mul3A_215 = arith.constant 8 : i32
      %mul3A_216 = arith.muli %scan3A_182, %mul3A_215 : i32
      %add3A_217 = arith.constant 1 : i32
      %add3A_218 = arith.addi %mul3A_216, %add3A_217 : i32
      %mul3A_219 = arith.constant 8 : i32
      %mul3A_220 = arith.muli %add3A_218, %mul3A_219 : i32
      %dma_wait3A_221 = tpu.memref_slice %arg5[%mul3A_220] : memref<1024xi32, #tpu.memory_space<vmem>> -> memref<8xi32, #tpu.memory_space<vmem>>
      %dma_wait3A_222 = arith.constant 0 : i32
      %dma_wait3A_223 = arith.constant 0 : i32
      %dma_wait3A_224 = tpu.memref_slice %arg3[%dma_wait3A_222, %dma_wait3A_223] : memref<8192x1024xf32, #tpu.memory_space<hbm>> -> memref<8192x1024xf32, #tpu.memory_space<hbm>>
      tpu.wait_indirect_dma semaphore(%arg15 : memref<!tpu.dma_semaphore, #tpu.memory_space<semaphore_mem>>) src(%dma_wait3A_224 : memref<8192x1024xf32, #tpu.memory_space<hbm>>) dst(%arg7 : memref<8x1024xf32, #tpu.memory_space<vmem>>)
      %mul3A_225 = arith.constant 8 : i32
      %mul3A_226 = arith.muli %add3A_218, %mul3A_225 : i32
      %add3A_227 = arith.addi %mul3A_2, %mul3A_226 : i32
      %dma_start3A_228 = arith.constant 0 : i32
      %dma_start3A_229 = tpu.memref_slice %arg4[%add3A_227, %dma_start3A_228] : memref<32768x1024xf32, #tpu.memory_space<hbm>> -> memref<8x1024xf32, #tpu.memory_space<hbm>>
      %dma_start3A_230 = arith.constant 0 : i32
      %dma_start3A_231 = tpu.memref_slice %arg4[%add3A_227, %dma_start3A_230] : memref<32768x1024xf32, #tpu.memory_space<hbm>> -> memref<8x1024xf32, #tpu.memory_space<hbm>>
      tpu.enqueue_dma source(%arg7 : memref<8x1024xf32, #tpu.memory_space<vmem>>) target(%dma_start3A_231 : memref<8x1024xf32, #tpu.memory_space<hbm>>) target_semaphore(%arg23 : memref<!tpu.dma_semaphore, #tpu.memory_space<semaphore_mem>>)
      %mul3A_232 = arith.constant 8 : i32
      %mul3A_233 = arith.muli %add3A_218, %mul3A_232 : i32
      %add3A_234 = arith.addi %mul3A_2, %mul3A_233 : i32
      %dma_wait3A_235 = arith.constant 0 : i32
      %dma_wait3A_236 = tpu.memref_slice %arg4[%add3A_234, %dma_wait3A_235] : memref<32768x1024xf32, #tpu.memory_space<hbm>> -> memref<8x1024xf32, #tpu.memory_space<hbm>>
      %dma_wait3A_237 = arith.constant 0 : i32
      %dma_wait3A_238 = tpu.memref_slice %arg4[%add3A_234, %dma_wait3A_237] : memref<32768x1024xf32, #tpu.memory_space<hbm>> -> memref<8x1024xf32, #tpu.memory_space<hbm>>
      tpu.wait_dma2 semaphore(%arg23 : memref<!tpu.dma_semaphore, #tpu.memory_space<semaphore_mem>>) src(%arg7 : memref<8x1024xf32, #tpu.memory_space<vmem>>) dst(%dma_wait3A_238 : memref<8x1024xf32, #tpu.memory_space<hbm>>)
      %add3A_239 = arith.constant 8 : i32
      %add3A_240 = arith.addi %add3A_218, %add3A_239 : i32
      %mul3A_241 = arith.constant 8 : i32
      %mul3A_242 = arith.muli %add3A_240, %mul3A_241 : i32
      %dma_start3A_243 = tpu.memref_slice %arg5[%mul3A_242] : memref<1024xi32, #tpu.memory_space<vmem>> -> memref<8xi32, #tpu.memory_space<vmem>>
      %dma_start3A_244 = arith.constant 0 : i32
      %dma_start3A_245 = arith.constant 0 : i32
      %dma_start3A_246 = tpu.memref_slice %arg3[%dma_start3A_244, %dma_start3A_245] : memref<8192x1024xf32, #tpu.memory_space<hbm>> -> memref<8192x1024xf32, #tpu.memory_space<hbm>>
      tpu.enqueue_indirect_dma source(%dma_start3A_246 : memref<8192x1024xf32, #tpu.memory_space<hbm>>) target(%arg7 : memref<8x1024xf32, #tpu.memory_space<vmem>>) offsets(%dma_start3A_243 : memref<8xi32, #tpu.memory_space<vmem>>) semaphore(%arg15 : memref<!tpu.dma_semaphore, #tpu.memory_space<semaphore_mem>>)
      %mul3A_247 = arith.constant 8 : i32
      %mul3A_248 = arith.muli %scan3A_182, %mul3A_247 : i32
      %add3A_249 = arith.constant 2 : i32
      %add3A_250 = arith.addi %mul3A_248, %add3A_249 : i32
      %mul3A_251 = arith.constant 8 : i32
      %mul3A_252 = arith.muli %add3A_250, %mul3A_251 : i32
      %dma_wait3A_253 = tpu.memref_slice %arg5[%mul3A_252] : memref<1024xi32, #tpu.memory_space<vmem>> -> memref<8xi32, #tpu.memory_space<vmem>>
      %dma_wait3A_254 = arith.constant 0 : i32
      %dma_wait3A_255 = arith.constant 0 : i32
      %dma_wait3A_256 = tpu.memref_slice %arg3[%dma_wait3A_254, %dma_wait3A_255] : memref<8192x1024xf32, #tpu.memory_space<hbm>> -> memref<8192x1024xf32, #tpu.memory_space<hbm>>
      tpu.wait_indirect_dma semaphore(%arg16 : memref<!tpu.dma_semaphore, #tpu.memory_space<semaphore_mem>>) src(%dma_wait3A_256 : memref<8192x1024xf32, #tpu.memory_space<hbm>>) dst(%arg8 : memref<8x1024xf32, #tpu.memory_space<vmem>>)
      %mul3A_257 = arith.constant 8 : i32
      %mul3A_258 = arith.muli %add3A_250, %mul3A_257 : i32
      %add3A_259 = arith.addi %mul3A_2, %mul3A_258 : i32
      %dma_start3A_260 = arith.constant 0 : i32
      %dma_start3A_261 = tpu.memref_slice %arg4[%add3A_259, %dma_start3A_260] : memref<32768x1024xf32, #tpu.memory_space<hbm>> -> memref<8x1024xf32, #tpu.memory_space<hbm>>
      %dma_start3A_262 = arith.constant 0 : i32
      %dma_start3A_263 = tpu.memref_slice %arg4[%add3A_259, %dma_start3A_262] : memref<32768x1024xf32, #tpu.memory_space<hbm>> -> memref<8x1024xf32, #tpu.memory_space<hbm>>
      tpu.enqueue_dma source(%arg8 : memref<8x1024xf32, #tpu.memory_space<vmem>>) target(%dma_start3A_263 : memref<8x1024xf32, #tpu.memory_space<hbm>>) target_semaphore(%arg24 : memref<!tpu.dma_semaphore, #tpu.memory_space<semaphore_mem>>)
      %mul3A_264 = arith.constant 8 : i32
      %mul3A_265 = arith.muli %add3A_250, %mul3A_264 : i32
      %add3A_266 = arith.addi %mul3A_2, %mul3A_265 : i32
      %dma_wait3A_267 = arith.constant 0 : i32
      %dma_wait3A_268 = tpu.memref_slice %arg4[%add3A_266, %dma_wait3A_267] : memref<32768x1024xf32, #tpu.memory_space<hbm>> -> memref<8x1024xf32, #tpu.memory_space<hbm>>
      %dma_wait3A_269 = arith.constant 0 : i32
      %dma_wait3A_270 = tpu.memref_slice %arg4[%add3A_266, %dma_wait3A_269] : memref<32768x1024xf32, #tpu.memory_space<hbm>> -> memref<8x1024xf32, #tpu.memory_space<hbm>>
      tpu.wait_dma2 semaphore(%arg24 : memref<!tpu.dma_semaphore, #tpu.memory_space<semaphore_mem>>) src(%arg8 : memref<8x1024xf32, #tpu.memory_space<vmem>>) dst(%dma_wait3A_270 : memref<8x1024xf32, #tpu.memory_space<hbm>>)
      %add3A_271 = arith.constant 8 : i32
      %add3A_272 = arith.addi %add3A_250, %add3A_271 : i32
      %mul3A_273 = arith.constant 8 : i32
      %mul3A_274 = arith.muli %add3A_272, %mul3A_273 : i32
      %dma_start3A_275 = tpu.memref_slice %arg5[%mul3A_274] : memref<1024xi32, #tpu.memory_space<vmem>> -> memref<8xi32, #tpu.memory_space<vmem>>
      %dma_start3A_276 = arith.constant 0 : i32
      %dma_start3A_277 = arith.constant 0 : i32
      %dma_start3A_278 = tpu.memref_slice %arg3[%dma_start3A_276, %dma_start3A_277] : memref<8192x1024xf32, #tpu.memory_space<hbm>> -> memref<8192x1024xf32, #tpu.memory_space<hbm>>
      tpu.enqueue_indirect_dma source(%dma_start3A_278 : memref<8192x1024xf32, #tpu.memory_space<hbm>>) target(%arg8 : memref<8x1024xf32, #tpu.memory_space<vmem>>) offsets(%dma_start3A_275 : memref<8xi32, #tpu.memory_space<vmem>>) semaphore(%arg16 : memref<!tpu.dma_semaphore, #tpu.memory_space<semaphore_mem>>)
      %mul3A_279 = arith.constant 8 : i32
      %mul3A_280 = arith.muli %scan3A_182, %mul3A_279 : i32
      %add3A_281 = arith.constant 3 : i32
      %add3A_282 = arith.addi %mul3A_280, %add3A_281 : i32
      %mul3A_283 = arith.constant 8 : i32
      %mul3A_284 = arith.muli %add3A_282, %mul3A_283 : i32
      %dma_wait3A_285 = tpu.memref_slice %arg5[%mul3A_284] : memref<1024xi32, #tpu.memory_space<vmem>> -> memref<8xi32, #tpu.memory_space<vmem>>
      %dma_wait3A_286 = arith.constant 0 : i32
      %dma_wait3A_287 = arith.constant 0 : i32
      %dma_wait3A_288 = tpu.memref_slice %arg3[%dma_wait3A_286, %dma_wait3A_287] : memref<8192x1024xf32, #tpu.memory_space<hbm>> -> memref<8192x1024xf32, #tpu.memory_space<hbm>>
      tpu.wait_indirect_dma semaphore(%arg17 : memref<!tpu.dma_semaphore, #tpu.memory_space<semaphore_mem>>) src(%dma_wait3A_288 : memref<8192x1024xf32, #tpu.memory_space<hbm>>) dst(%arg9 : memref<8x1024xf32, #tpu.memory_space<vmem>>)
      %mul3A_289 = arith.constant 8 : i32
      %mul3A_290 = arith.muli %add3A_282, %mul3A_289 : i32
      %add3A_291 = arith.addi %mul3A_2, %mul3A_290 : i32
      %dma_start3A_292 = arith.constant 0 : i32
      %dma_start3A_293 = tpu.memref_slice %arg4[%add3A_291, %dma_start3A_292] : memref<32768x1024xf32, #tpu.memory_space<hbm>> -> memref<8x1024xf32, #tpu.memory_space<hbm>>
      %dma_start3A_294 = arith.constant 0 : i32
      %dma_start3A_295 = tpu.memref_slice %arg4[%add3A_291, %dma_start3A_294] : memref<32768x1024xf32, #tpu.memory_space<hbm>> -> memref<8x1024xf32, #tpu.memory_space<hbm>>
      tpu.enqueue_dma source(%arg9 : memref<8x1024xf32, #tpu.memory_space<vmem>>) target(%dma_start3A_295 : memref<8x1024xf32, #tpu.memory_space<hbm>>) target_semaphore(%arg25 : memref<!tpu.dma_semaphore, #tpu.memory_space<semaphore_mem>>)
      %mul3A_296 = arith.constant 8 : i32
      %mul3A_297 = arith.muli %add3A_282, %mul3A_296 : i32
      %add3A_298 = arith.addi %mul3A_2, %mul3A_297 : i32
      %dma_wait3A_299 = arith.constant 0 : i32
      %dma_wait3A_300 = tpu.memref_slice %arg4[%add3A_298, %dma_wait3A_299] : memref<32768x1024xf32, #tpu.memory_space<hbm>> -> memref<8x1024xf32, #tpu.memory_space<hbm>>
      %dma_wait3A_301 = arith.constant 0 : i32
      %dma_wait3A_302 = tpu.memref_slice %arg4[%add3A_298, %dma_wait3A_301] : memref<32768x1024xf32, #tpu.memory_space<hbm>> -> memref<8x1024xf32, #tpu.memory_space<hbm>>
      tpu.wait_dma2 semaphore(%arg25 : memref<!tpu.dma_semaphore, #tpu.memory_space<semaphore_mem>>) src(%arg9 : memref<8x1024xf32, #tpu.memory_space<vmem>>) dst(%dma_wait3A_302 : memref<8x1024xf32, #tpu.memory_space<hbm>>)
      %add3A_303 = arith.constant 8 : i32
      %add3A_304 = arith.addi %add3A_282, %add3A_303 : i32
      %mul3A_305 = arith.constant 8 : i32
      %mul3A_306 = arith.muli %add3A_304, %mul3A_305 : i32
      %dma_start3A_307 = tpu.memref_slice %arg5[%mul3A_306] : memref<1024xi32, #tpu.memory_space<vmem>> -> memref<8xi32, #tpu.memory_space<vmem>>
      %dma_start3A_308 = arith.constant 0 : i32
      %dma_start3A_309 = arith.constant 0 : i32
      %dma_start3A_310 = tpu.memref_slice %arg3[%dma_start3A_308, %dma_start3A_309] : memref<8192x1024xf32, #tpu.memory_space<hbm>> -> memref<8192x1024xf32, #tpu.memory_space<hbm>>
      tpu.enqueue_indirect_dma source(%dma_start3A_310 : memref<8192x1024xf32, #tpu.memory_space<hbm>>) target(%arg9 : memref<8x1024xf32, #tpu.memory_space<vmem>>) offsets(%dma_start3A_307 : memref<8xi32, #tpu.memory_space<vmem>>) semaphore(%arg17 : memref<!tpu.dma_semaphore, #tpu.memory_space<semaphore_mem>>)
      %mul3A_311 = arith.constant 8 : i32
      %mul3A_312 = arith.muli %scan3A_182, %mul3A_311 : i32
      %add3A_313 = arith.constant 4 : i32
      %add3A_314 = arith.addi %mul3A_312, %add3A_313 : i32
      %mul3A_315 = arith.constant 8 : i32
      %mul3A_316 = arith.muli %add3A_314, %mul3A_315 : i32
      %dma_wait3A_317 = tpu.memref_slice %arg5[%mul3A_316] : memref<1024xi32, #tpu.memory_space<vmem>> -> memref<8xi32, #tpu.memory_space<vmem>>
      %dma_wait3A_318 = arith.constant 0 : i32
      %dma_wait3A_319 = arith.constant 0 : i32
      %dma_wait3A_320 = tpu.memref_slice %arg3[%dma_wait3A_318, %dma_wait3A_319] : memref<8192x1024xf32, #tpu.memory_space<hbm>> -> memref<8192x1024xf32, #tpu.memory_space<hbm>>
      tpu.wait_indirect_dma semaphore(%arg18 : memref<!tpu.dma_semaphore, #tpu.memory_space<semaphore_mem>>) src(%dma_wait3A_320 : memref<8192x1024xf32, #tpu.memory_space<hbm>>) dst(%arg10 : memref<8x1024xf32, #tpu.memory_space<vmem>>)
      %mul3A_321 = arith.constant 8 : i32
      %mul3A_322 = arith.muli %add3A_314, %mul3A_321 : i32
      %add3A_323 = arith.addi %mul3A_2, %mul3A_322 : i32
      %dma_start3A_324 = arith.constant 0 : i32
      %dma_start3A_325 = tpu.memref_slice %arg4[%add3A_323, %dma_start3A_324] : memref<32768x1024xf32, #tpu.memory_space<hbm>> -> memref<8x1024xf32, #tpu.memory_space<hbm>>
      %dma_start3A_326 = arith.constant 0 : i32
      %dma_start3A_327 = tpu.memref_slice %arg4[%add3A_323, %dma_start3A_326] : memref<32768x1024xf32, #tpu.memory_space<hbm>> -> memref<8x1024xf32, #tpu.memory_space<hbm>>
      tpu.enqueue_dma source(%arg10 : memref<8x1024xf32, #tpu.memory_space<vmem>>) target(%dma_start3A_327 : memref<8x1024xf32, #tpu.memory_space<hbm>>) target_semaphore(%arg26 : memref<!tpu.dma_semaphore, #tpu.memory_space<semaphore_mem>>)
      %mul3A_328 = arith.constant 8 : i32
      %mul3A_329 = arith.muli %add3A_314, %mul3A_328 : i32
      %add3A_330 = arith.addi %mul3A_2, %mul3A_329 : i32
      %dma_wait3A_331 = arith.constant 0 : i32
      %dma_wait3A_332 = tpu.memref_slice %arg4[%add3A_330, %dma_wait3A_331] : memref<32768x1024xf32, #tpu.memory_space<hbm>> -> memref<8x1024xf32, #tpu.memory_space<hbm>>
      %dma_wait3A_333 = arith.constant 0 : i32
      %dma_wait3A_334 = tpu.memref_slice %arg4[%add3A_330, %dma_wait3A_333] : memref<32768x1024xf32, #tpu.memory_space<hbm>> -> memref<8x1024xf32, #tpu.memory_space<hbm>>
      tpu.wait_dma2 semaphore(%arg26 : memref<!tpu.dma_semaphore, #tpu.memory_space<semaphore_mem>>) src(%arg10 : memref<8x1024xf32, #tpu.memory_space<vmem>>) dst(%dma_wait3A_334 : memref<8x1024xf32, #tpu.memory_space<hbm>>)
      %add3A_335 = arith.constant 8 : i32
      %add3A_336 = arith.addi %add3A_314, %add3A_335 : i32
      %mul3A_337 = arith.constant 8 : i32
      %mul3A_338 = arith.muli %add3A_336, %mul3A_337 : i32
      %dma_start3A_339 = tpu.memref_slice %arg5[%mul3A_338] : memref<1024xi32, #tpu.memory_space<vmem>> -> memref<8xi32, #tpu.memory_space<vmem>>
      %dma_start3A_340 = arith.constant 0 : i32
      %dma_start3A_341 = arith.constant 0 : i32
      %dma_start3A_342 = tpu.memref_slice %arg3[%dma_start3A_340, %dma_start3A_341] : memref<8192x1024xf32, #tpu.memory_space<hbm>> -> memref<8192x1024xf32, #tpu.memory_space<hbm>>
      tpu.enqueue_indirect_dma source(%dma_start3A_342 : memref<8192x1024xf32, #tpu.memory_space<hbm>>) target(%arg10 : memref<8x1024xf32, #tpu.memory_space<vmem>>) offsets(%dma_start3A_339 : memref<8xi32, #tpu.memory_space<vmem>>) semaphore(%arg18 : memref<!tpu.dma_semaphore, #tpu.memory_space<semaphore_mem>>)
      %mul3A_343 = arith.constant 8 : i32
      %mul3A_344 = arith.muli %scan3A_182, %mul3A_343 : i32
      %add3A_345 = arith.constant 5 : i32
      %add3A_346 = arith.addi %mul3A_344, %add3A_345 : i32
      %mul3A_347 = arith.constant 8 : i32
      %mul3A_348 = arith.muli %add3A_346, %mul3A_347 : i32
      %dma_wait3A_349 = tpu.memref_slice %arg5[%mul3A_348] : memref<1024xi32, #tpu.memory_space<vmem>> -> memref<8xi32, #tpu.memory_space<vmem>>
      %dma_wait3A_350 = arith.constant 0 : i32
      %dma_wait3A_351 = arith.constant 0 : i32
      %dma_wait3A_352 = tpu.memref_slice %arg3[%dma_wait3A_350, %dma_wait3A_351] : memref<8192x1024xf32, #tpu.memory_space<hbm>> -> memref<8192x1024xf32, #tpu.memory_space<hbm>>
      tpu.wait_indirect_dma semaphore(%arg19 : memref<!tpu.dma_semaphore, #tpu.memory_space<semaphore_mem>>) src(%dma_wait3A_352 : memref<8192x1024xf32, #tpu.memory_space<hbm>>) dst(%arg11 : memref<8x1024xf32, #tpu.memory_space<vmem>>)
      %mul3A_353 = arith.constant 8 : i32
      %mul3A_354 = arith.muli %add3A_346, %mul3A_353 : i32
      %add3A_355 = arith.addi %mul3A_2, %mul3A_354 : i32
      %dma_start3A_356 = arith.constant 0 : i32
      %dma_start3A_357 = tpu.memref_slice %arg4[%add3A_355, %dma_start3A_356] : memref<32768x1024xf32, #tpu.memory_space<hbm>> -> memref<8x1024xf32, #tpu.memory_space<hbm>>
      %dma_start3A_358 = arith.constant 0 : i32
      %dma_start3A_359 = tpu.memref_slice %arg4[%add3A_355, %dma_start3A_358] : memref<32768x1024xf32, #tpu.memory_space<hbm>> -> memref<8x1024xf32, #tpu.memory_space<hbm>>
      tpu.enqueue_dma source(%arg11 : memref<8x1024xf32, #tpu.memory_space<vmem>>) target(%dma_start3A_359 : memref<8x1024xf32, #tpu.memory_space<hbm>>) target_semaphore(%arg27 : memref<!tpu.dma_semaphore, #tpu.memory_space<semaphore_mem>>)
      %mul3A_360 = arith.constant 8 : i32
      %mul3A_361 = arith.muli %add3A_346, %mul3A_360 : i32
      %add3A_362 = arith.addi %mul3A_2, %mul3A_361 : i32
      %dma_wait3A_363 = arith.constant 0 : i32
      %dma_wait3A_364 = tpu.memref_slice %arg4[%add3A_362, %dma_wait3A_363] : memref<32768x1024xf32, #tpu.memory_space<hbm>> -> memref<8x1024xf32, #tpu.memory_space<hbm>>
      %dma_wait3A_365 = arith.constant 0 : i32
      %dma_wait3A_366 = tpu.memref_slice %arg4[%add3A_362, %dma_wait3A_365] : memref<32768x1024xf32, #tpu.memory_space<hbm>> -> memref<8x1024xf32, #tpu.memory_space<hbm>>
      tpu.wait_dma2 semaphore(%arg27 : memref<!tpu.dma_semaphore, #tpu.memory_space<semaphore_mem>>) src(%arg11 : memref<8x1024xf32, #tpu.memory_space<vmem>>) dst(%dma_wait3A_366 : memref<8x1024xf32, #tpu.memory_space<hbm>>)
      %add3A_367 = arith.constant 8 : i32
      %add3A_368 = arith.addi %add3A_346, %add3A_367 : i32
      %mul3A_369 = arith.constant 8 : i32
      %mul3A_370 = arith.muli %add3A_368, %mul3A_369 : i32
      %dma_start3A_371 = tpu.memref_slice %arg5[%mul3A_370] : memref<1024xi32, #tpu.memory_space<vmem>> -> memref<8xi32, #tpu.memory_space<vmem>>
      %dma_start3A_372 = arith.constant 0 : i32
      %dma_start3A_373 = arith.constant 0 : i32
      %dma_start3A_374 = tpu.memref_slice %arg3[%dma_start3A_372, %dma_start3A_373] : memref<8192x1024xf32, #tpu.memory_space<hbm>> -> memref<8192x1024xf32, #tpu.memory_space<hbm>>
      tpu.enqueue_indirect_dma source(%dma_start3A_374 : memref<8192x1024xf32, #tpu.memory_space<hbm>>) target(%arg11 : memref<8x1024xf32, #tpu.memory_space<vmem>>) offsets(%dma_start3A_371 : memref<8xi32, #tpu.memory_space<vmem>>) semaphore(%arg19 : memref<!tpu.dma_semaphore, #tpu.memory_space<semaphore_mem>>)
      %mul3A_375 = arith.constant 8 : i32
      %mul3A_376 = arith.muli %scan3A_182, %mul3A_375 : i32
      %add3A_377 = arith.constant 6 : i32
      %add3A_378 = arith.addi %mul3A_376, %add3A_377 : i32
      %mul3A_379 = arith.constant 8 : i32
      %mul3A_380 = arith.muli %add3A_378, %mul3A_379 : i32
      %dma_wait3A_381 = tpu.memref_slice %arg5[%mul3A_380] : memref<1024xi32, #tpu.memory_space<vmem>> -> memref<8xi32, #tpu.memory_space<vmem>>
      %dma_wait3A_382 = arith.constant 0 : i32
      %dma_wait3A_383 = arith.constant 0 : i32
      %dma_wait3A_384 = tpu.memref_slice %arg3[%dma_wait3A_382, %dma_wait3A_383] : memref<8192x1024xf32, #tpu.memory_space<hbm>> -> memref<8192x1024xf32, #tpu.memory_space<hbm>>
      tpu.wait_indirect_dma semaphore(%arg20 : memref<!tpu.dma_semaphore, #tpu.memory_space<semaphore_mem>>) src(%dma_wait3A_384 : memref<8192x1024xf32, #tpu.memory_space<hbm>>) dst(%arg12 : memref<8x1024xf32, #tpu.memory_space<vmem>>)
      %mul3A_385 = arith.constant 8 : i32
      %mul3A_386 = arith.muli %add3A_378, %mul3A_385 : i32
      %add3A_387 = arith.addi %mul3A_2, %mul3A_386 : i32
      %dma_start3A_388 = arith.constant 0 : i32
      %dma_start3A_389 = tpu.memref_slice %arg4[%add3A_387, %dma_start3A_388] : memref<32768x1024xf32, #tpu.memory_space<hbm>> -> memref<8x1024xf32, #tpu.memory_space<hbm>>
      %dma_start3A_390 = arith.constant 0 : i32
      %dma_start3A_391 = tpu.memref_slice %arg4[%add3A_387, %dma_start3A_390] : memref<32768x1024xf32, #tpu.memory_space<hbm>> -> memref<8x1024xf32, #tpu.memory_space<hbm>>
      tpu.enqueue_dma source(%arg12 : memref<8x1024xf32, #tpu.memory_space<vmem>>) target(%dma_start3A_391 : memref<8x1024xf32, #tpu.memory_space<hbm>>) target_semaphore(%arg28 : memref<!tpu.dma_semaphore, #tpu.memory_space<semaphore_mem>>)
      %mul3A_392 = arith.constant 8 : i32
      %mul3A_393 = arith.muli %add3A_378, %mul3A_392 : i32
      %add3A_394 = arith.addi %mul3A_2, %mul3A_393 : i32
      %dma_wait3A_395 = arith.constant 0 : i32
      %dma_wait3A_396 = tpu.memref_slice %arg4[%add3A_394, %dma_wait3A_395] : memref<32768x1024xf32, #tpu.memory_space<hbm>> -> memref<8x1024xf32, #tpu.memory_space<hbm>>
      %dma_wait3A_397 = arith.constant 0 : i32
      %dma_wait3A_398 = tpu.memref_slice %arg4[%add3A_394, %dma_wait3A_397] : memref<32768x1024xf32, #tpu.memory_space<hbm>> -> memref<8x1024xf32, #tpu.memory_space<hbm>>
      tpu.wait_dma2 semaphore(%arg28 : memref<!tpu.dma_semaphore, #tpu.memory_space<semaphore_mem>>) src(%arg12 : memref<8x1024xf32, #tpu.memory_space<vmem>>) dst(%dma_wait3A_398 : memref<8x1024xf32, #tpu.memory_space<hbm>>)
      %add3A_399 = arith.constant 8 : i32
      %add3A_400 = arith.addi %add3A_378, %add3A_399 : i32
      %mul3A_401 = arith.constant 8 : i32
      %mul3A_402 = arith.muli %add3A_400, %mul3A_401 : i32
      %dma_start3A_403 = tpu.memref_slice %arg5[%mul3A_402] : memref<1024xi32, #tpu.memory_space<vmem>> -> memref<8xi32, #tpu.memory_space<vmem>>
      %dma_start3A_404 = arith.constant 0 : i32
      %dma_start3A_405 = arith.constant 0 : i32
      %dma_start3A_406 = tpu.memref_slice %arg3[%dma_start3A_404, %dma_start3A_405] : memref<8192x1024xf32, #tpu.memory_space<hbm>> -> memref<8192x1024xf32, #tpu.memory_space<hbm>>
      tpu.enqueue_indirect_dma source(%dma_start3A_406 : memref<8192x1024xf32, #tpu.memory_space<hbm>>) target(%arg12 : memref<8x1024xf32, #tpu.memory_space<vmem>>) offsets(%dma_start3A_403 : memref<8xi32, #tpu.memory_space<vmem>>) semaphore(%arg20 : memref<!tpu.dma_semaphore, #tpu.memory_space<semaphore_mem>>)
      %mul3A_407 = arith.constant 8 : i32
      %mul3A_408 = arith.muli %scan3A_182, %mul3A_407 : i32
      %add3A_409 = arith.constant 7 : i32
      %add3A_410 = arith.addi %mul3A_408, %add3A_409 : i32
      %mul3A_411 = arith.constant 8 : i32
      %mul3A_412 = arith.muli %add3A_410, %mul3A_411 : i32
      %dma_wait3A_413 = tpu.memref_slice %arg5[%mul3A_412] : memref<1024xi32, #tpu.memory_space<vmem>> -> memref<8xi32, #tpu.memory_space<vmem>>
      %dma_wait3A_414 = arith.constant 0 : i32
      %dma_wait3A_415 = arith.constant 0 : i32
      %dma_wait3A_416 = tpu.memref_slice %arg3[%dma_wait3A_414, %dma_wait3A_415] : memref<8192x1024xf32, #tpu.memory_space<hbm>> -> memref<8192x1024xf32, #tpu.memory_space<hbm>>
      tpu.wait_indirect_dma semaphore(%arg21 : memref<!tpu.dma_semaphore, #tpu.memory_space<semaphore_mem>>) src(%dma_wait3A_416 : memref<8192x1024xf32, #tpu.memory_space<hbm>>) dst(%arg13 : memref<8x1024xf32, #tpu.memory_space<vmem>>)
      %mul3A_417 = arith.constant 8 : i32
      %mul3A_418 = arith.muli %add3A_410, %mul3A_417 : i32
      %add3A_419 = arith.addi %mul3A_2, %mul3A_418 : i32
      %dma_start3A_420 = arith.constant 0 : i32
      %dma_start3A_421 = tpu.memref_slice %arg4[%add3A_419, %dma_start3A_420] : memref<32768x1024xf32, #tpu.memory_space<hbm>> -> memref<8x1024xf32, #tpu.memory_space<hbm>>
      %dma_start3A_422 = arith.constant 0 : i32
      %dma_start3A_423 = tpu.memref_slice %arg4[%add3A_419, %dma_start3A_422] : memref<32768x1024xf32, #tpu.memory_space<hbm>> -> memref<8x1024xf32, #tpu.memory_space<hbm>>
      tpu.enqueue_dma source(%arg13 : memref<8x1024xf32, #tpu.memory_space<vmem>>) target(%dma_start3A_423 : memref<8x1024xf32, #tpu.memory_space<hbm>>) target_semaphore(%arg29 : memref<!tpu.dma_semaphore, #tpu.memory_space<semaphore_mem>>)
      %mul3A_424 = arith.constant 8 : i32
      %mul3A_425 = arith.muli %add3A_410, %mul3A_424 : i32
      %add3A_426 = arith.addi %mul3A_2, %mul3A_425 : i32
      %dma_wait3A_427 = arith.constant 0 : i32
      %dma_wait3A_428 = tpu.memref_slice %arg4[%add3A_426, %dma_wait3A_427] : memref<32768x1024xf32, #tpu.memory_space<hbm>> -> memref<8x1024xf32, #tpu.memory_space<hbm>>
      %dma_wait3A_429 = arith.constant 0 : i32
      %dma_wait3A_430 = tpu.memref_slice %arg4[%add3A_426, %dma_wait3A_429] : memref<32768x1024xf32, #tpu.memory_space<hbm>> -> memref<8x1024xf32, #tpu.memory_space<hbm>>
      tpu.wait_dma2 semaphore(%arg29 : memref<!tpu.dma_semaphore, #tpu.memory_space<semaphore_mem>>) src(%arg13 : memref<8x1024xf32, #tpu.memory_space<vmem>>) dst(%dma_wait3A_430 : memref<8x1024xf32, #tpu.memory_space<hbm>>)
      %add3A_431 = arith.constant 8 : i32
      %add3A_432 = arith.addi %add3A_410, %add3A_431 : i32
      %mul3A_433 = arith.constant 8 : i32
      %mul3A_434 = arith.muli %add3A_432, %mul3A_433 : i32
      %dma_start3A_435 = tpu.memref_slice %arg5[%mul3A_434] : memref<1024xi32, #tpu.memory_space<vmem>> -> memref<8xi32, #tpu.memory_space<vmem>>
      %dma_start3A_436 = arith.constant 0 : i32
      %dma_start3A_437 = arith.constant 0 : i32
      %dma_start3A_438 = tpu.memref_slice %arg3[%dma_start3A_436, %dma_start3A_437] : memref<8192x1024xf32, #tpu.memory_space<hbm>> -> memref<8192x1024xf32, #tpu.memory_space<hbm>>
      tpu.enqueue_indirect_dma source(%dma_start3A_438 : memref<8192x1024xf32, #tpu.memory_space<hbm>>) target(%arg13 : memref<8x1024xf32, #tpu.memory_space<vmem>>) offsets(%dma_start3A_435 : memref<8xi32, #tpu.memory_space<vmem>>) semaphore(%arg21 : memref<!tpu.dma_semaphore, #tpu.memory_space<semaphore_mem>>)
    }
    %scan3A_46 = arith.constant 15 : i32
    %dma_wait3A = arith.constant 960 : i32
    %dma_wait3A_47 = tpu.memref_slice %arg5[%dma_wait3A] : memref<1024xi32, #tpu.memory_space<vmem>> -> memref<8xi32, #tpu.memory_space<vmem>>
    %dma_wait3A_48 = arith.constant 0 : i32
    %dma_wait3A_49 = arith.constant 0 : i32
    %dma_wait3A_50 = tpu.memref_slice %arg3[%dma_wait3A_48, %dma_wait3A_49] : memref<8192x1024xf32, #tpu.memory_space<hbm>> -> memref<8192x1024xf32, #tpu.memory_space<hbm>>
    tpu.wait_indirect_dma semaphore(%arg14 : memref<!tpu.dma_semaphore, #tpu.memory_space<semaphore_mem>>) src(%dma_wait3A_50 : memref<8192x1024xf32, #tpu.memory_space<hbm>>) dst(%arg6 : memref<8x1024xf32, #tpu.memory_space<vmem>>)
    %add3A_51 = arith.constant 960 : i32
    %add3A_52 = arith.addi %mul3A_2, %add3A_51 : i32
    %dma_start3A_53 = arith.constant 0 : i32
    %dma_start3A_54 = tpu.memref_slice %arg4[%add3A_52, %dma_start3A_53] : memref<32768x1024xf32, #tpu.memory_space<hbm>> -> memref<8x1024xf32, #tpu.memory_space<hbm>>
    %dma_start3A_55 = arith.constant 0 : i32
    %dma_start3A_56 = tpu.memref_slice %arg4[%add3A_52, %dma_start3A_55] : memref<32768x1024xf32, #tpu.memory_space<hbm>> -> memref<8x1024xf32, #tpu.memory_space<hbm>>
    tpu.enqueue_dma source(%arg6 : memref<8x1024xf32, #tpu.memory_space<vmem>>) target(%dma_start3A_56 : memref<8x1024xf32, #tpu.memory_space<hbm>>) target_semaphore(%arg22 : memref<!tpu.dma_semaphore, #tpu.memory_space<semaphore_mem>>)
    %dma_wait3A_57 = arith.constant 968 : i32
    %dma_wait3A_58 = tpu.memref_slice %arg5[%dma_wait3A_57] : memref<1024xi32, #tpu.memory_space<vmem>> -> memref<8xi32, #tpu.memory_space<vmem>>
    %dma_wait3A_59 = arith.constant 0 : i32
    %dma_wait3A_60 = arith.constant 0 : i32
    %dma_wait3A_61 = tpu.memref_slice %arg3[%dma_wait3A_59, %dma_wait3A_60] : memref<8192x1024xf32, #tpu.memory_space<hbm>> -> memref<8192x1024xf32, #tpu.memory_space<hbm>>
    tpu.wait_indirect_dma semaphore(%arg15 : memref<!tpu.dma_semaphore, #tpu.memory_space<semaphore_mem>>) src(%dma_wait3A_61 : memref<8192x1024xf32, #tpu.memory_space<hbm>>) dst(%arg7 : memref<8x1024xf32, #tpu.memory_space<vmem>>)
    %add3A_62 = arith.constant 968 : i32
    %add3A_63 = arith.addi %mul3A_2, %add3A_62 : i32
    %dma_start3A_64 = arith.constant 0 : i32
    %dma_start3A_65 = tpu.memref_slice %arg4[%add3A_63, %dma_start3A_64] : memref<32768x1024xf32, #tpu.memory_space<hbm>> -> memref<8x1024xf32, #tpu.memory_space<hbm>>
    %dma_start3A_66 = arith.constant 0 : i32
    %dma_start3A_67 = tpu.memref_slice %arg4[%add3A_63, %dma_start3A_66] : memref<32768x1024xf32, #tpu.memory_space<hbm>> -> memref<8x1024xf32, #tpu.memory_space<hbm>>
    tpu.enqueue_dma source(%arg7 : memref<8x1024xf32, #tpu.memory_space<vmem>>) target(%dma_start3A_67 : memref<8x1024xf32, #tpu.memory_space<hbm>>) target_semaphore(%arg23 : memref<!tpu.dma_semaphore, #tpu.memory_space<semaphore_mem>>)
    %dma_wait3A_68 = arith.constant 976 : i32
    %dma_wait3A_69 = tpu.memref_slice %arg5[%dma_wait3A_68] : memref<1024xi32, #tpu.memory_space<vmem>> -> memref<8xi32, #tpu.memory_space<vmem>>
    %dma_wait3A_70 = arith.constant 0 : i32
    %dma_wait3A_71 = arith.constant 0 : i32
    %dma_wait3A_72 = tpu.memref_slice %arg3[%dma_wait3A_70, %dma_wait3A_71] : memref<8192x1024xf32, #tpu.memory_space<hbm>> -> memref<8192x1024xf32, #tpu.memory_space<hbm>>
    tpu.wait_indirect_dma semaphore(%arg16 : memref<!tpu.dma_semaphore, #tpu.memory_space<semaphore_mem>>) src(%dma_wait3A_72 : memref<8192x1024xf32, #tpu.memory_space<hbm>>) dst(%arg8 : memref<8x1024xf32, #tpu.memory_space<vmem>>)
    %add3A_73 = arith.constant 976 : i32
    %add3A_74 = arith.addi %mul3A_2, %add3A_73 : i32
    %dma_start3A_75 = arith.constant 0 : i32
    %dma_start3A_76 = tpu.memref_slice %arg4[%add3A_74, %dma_start3A_75] : memref<32768x1024xf32, #tpu.memory_space<hbm>> -> memref<8x1024xf32, #tpu.memory_space<hbm>>
    %dma_start3A_77 = arith.constant 0 : i32
    %dma_start3A_78 = tpu.memref_slice %arg4[%add3A_74, %dma_start3A_77] : memref<32768x1024xf32, #tpu.memory_space<hbm>> -> memref<8x1024xf32, #tpu.memory_space<hbm>>
    tpu.enqueue_dma source(%arg8 : memref<8x1024xf32, #tpu.memory_space<vmem>>) target(%dma_start3A_78 : memref<8x1024xf32, #tpu.memory_space<hbm>>) target_semaphore(%arg24 : memref<!tpu.dma_semaphore, #tpu.memory_space<semaphore_mem>>)
    %dma_wait3A_79 = arith.constant 984 : i32
    %dma_wait3A_80 = tpu.memref_slice %arg5[%dma_wait3A_79] : memref<1024xi32, #tpu.memory_space<vmem>> -> memref<8xi32, #tpu.memory_space<vmem>>
    %dma_wait3A_81 = arith.constant 0 : i32
    %dma_wait3A_82 = arith.constant 0 : i32
    %dma_wait3A_83 = tpu.memref_slice %arg3[%dma_wait3A_81, %dma_wait3A_82] : memref<8192x1024xf32, #tpu.memory_space<hbm>> -> memref<8192x1024xf32, #tpu.memory_space<hbm>>
    tpu.wait_indirect_dma semaphore(%arg17 : memref<!tpu.dma_semaphore, #tpu.memory_space<semaphore_mem>>) src(%dma_wait3A_83 : memref<8192x1024xf32, #tpu.memory_space<hbm>>) dst(%arg9 : memref<8x1024xf32, #tpu.memory_space<vmem>>)
    %add3A_84 = arith.constant 984 : i32
    %add3A_85 = arith.addi %mul3A_2, %add3A_84 : i32
    %dma_start3A_86 = arith.constant 0 : i32
    %dma_start3A_87 = tpu.memref_slice %arg4[%add3A_85, %dma_start3A_86] : memref<32768x1024xf32, #tpu.memory_space<hbm>> -> memref<8x1024xf32, #tpu.memory_space<hbm>>
    %dma_start3A_88 = arith.constant 0 : i32
    %dma_start3A_89 = tpu.memref_slice %arg4[%add3A_85, %dma_start3A_88] : memref<32768x1024xf32, #tpu.memory_space<hbm>> -> memref<8x1024xf32, #tpu.memory_space<hbm>>
    tpu.enqueue_dma source(%arg9 : memref<8x1024xf32, #tpu.memory_space<vmem>>) target(%dma_start3A_89 : memref<8x1024xf32, #tpu.memory_space<hbm>>) target_semaphore(%arg25 : memref<!tpu.dma_semaphore, #tpu.memory_space<semaphore_mem>>)
    %dma_wait3A_90 = arith.constant 992 : i32
    %dma_wait3A_91 = tpu.memref_slice %arg5[%dma_wait3A_90] : memref<1024xi32, #tpu.memory_space<vmem>> -> memref<8xi32, #tpu.memory_space<vmem>>
    %dma_wait3A_92 = arith.constant 0 : i32
    %dma_wait3A_93 = arith.constant 0 : i32
    %dma_wait3A_94 = tpu.memref_slice %arg3[%dma_wait3A_92, %dma_wait3A_93] : memref<8192x1024xf32, #tpu.memory_space<hbm>> -> memref<8192x1024xf32, #tpu.memory_space<hbm>>
    tpu.wait_indirect_dma semaphore(%arg18 : memref<!tpu.dma_semaphore, #tpu.memory_space<semaphore_mem>>) src(%dma_wait3A_94 : memref<8192x1024xf32, #tpu.memory_space<hbm>>) dst(%arg10 : memref<8x1024xf32, #tpu.memory_space<vmem>>)
    %add3A_95 = arith.constant 992 : i32
    %add3A_96 = arith.addi %mul3A_2, %add3A_95 : i32
    %dma_start3A_97 = arith.constant 0 : i32
    %dma_start3A_98 = tpu.memref_slice %arg4[%add3A_96, %dma_start3A_97] : memref<32768x1024xf32, #tpu.memory_space<hbm>> -> memref<8x1024xf32, #tpu.memory_space<hbm>>
    %dma_start3A_99 = arith.constant 0 : i32
    %dma_start3A_100 = tpu.memref_slice %arg4[%add3A_96, %dma_start3A_99] : memref<32768x1024xf32, #tpu.memory_space<hbm>> -> memref<8x1024xf32, #tpu.memory_space<hbm>>
    tpu.enqueue_dma source(%arg10 : memref<8x1024xf32, #tpu.memory_space<vmem>>) target(%dma_start3A_100 : memref<8x1024xf32, #tpu.memory_space<hbm>>) target_semaphore(%arg26 : memref<!tpu.dma_semaphore, #tpu.memory_space<semaphore_mem>>)
    %dma_wait3A_101 = arith.constant 1000 : i32
    %dma_wait3A_102 = tpu.memref_slice %arg5[%dma_wait3A_101] : memref<1024xi32, #tpu.memory_space<vmem>> -> memref<8xi32, #tpu.memory_space<vmem>>
    %dma_wait3A_103 = arith.constant 0 : i32
    %dma_wait3A_104 = arith.constant 0 : i32
    %dma_wait3A_105 = tpu.memref_slice %arg3[%dma_wait3A_103, %dma_wait3A_104] : memref<8192x1024xf32, #tpu.memory_space<hbm>> -> memref<8192x1024xf32, #tpu.memory_space<hbm>>
    tpu.wait_indirect_dma semaphore(%arg19 : memref<!tpu.dma_semaphore, #tpu.memory_space<semaphore_mem>>) src(%dma_wait3A_105 : memref<8192x1024xf32, #tpu.memory_space<hbm>>) dst(%arg11 : memref<8x1024xf32, #tpu.memory_space<vmem>>)
    %add3A_106 = arith.constant 1000 : i32
    %add3A_107 = arith.addi %mul3A_2, %add3A_106 : i32
    %dma_start3A_108 = arith.constant 0 : i32
    %dma_start3A_109 = tpu.memref_slice %arg4[%add3A_107, %dma_start3A_108] : memref<32768x1024xf32, #tpu.memory_space<hbm>> -> memref<8x1024xf32, #tpu.memory_space<hbm>>
    %dma_start3A_110 = arith.constant 0 : i32
    %dma_start3A_111 = tpu.memref_slice %arg4[%add3A_107, %dma_start3A_110] : memref<32768x1024xf32, #tpu.memory_space<hbm>> -> memref<8x1024xf32, #tpu.memory_space<hbm>>
    tpu.enqueue_dma source(%arg11 : memref<8x1024xf32, #tpu.memory_space<vmem>>) target(%dma_start3A_111 : memref<8x1024xf32, #tpu.memory_space<hbm>>) target_semaphore(%arg27 : memref<!tpu.dma_semaphore, #tpu.memory_space<semaphore_mem>>)
    %dma_wait3A_112 = arith.constant 1008 : i32
    %dma_wait3A_113 = tpu.memref_slice %arg5[%dma_wait3A_112] : memref<1024xi32, #tpu.memory_space<vmem>> -> memref<8xi32, #tpu.memory_space<vmem>>
    %dma_wait3A_114 = arith.constant 0 : i32
    %dma_wait3A_115 = arith.constant 0 : i32
    %dma_wait3A_116 = tpu.memref_slice %arg3[%dma_wait3A_114, %dma_wait3A_115] : memref<8192x1024xf32, #tpu.memory_space<hbm>> -> memref<8192x1024xf32, #tpu.memory_space<hbm>>
    tpu.wait_indirect_dma semaphore(%arg20 : memref<!tpu.dma_semaphore, #tpu.memory_space<semaphore_mem>>) src(%dma_wait3A_116 : memref<8192x1024xf32, #tpu.memory_space<hbm>>) dst(%arg12 : memref<8x1024xf32, #tpu.memory_space<vmem>>)
    %add3A_117 = arith.constant 1008 : i32
    %add3A_118 = arith.addi %mul3A_2, %add3A_117 : i32
    %dma_start3A_119 = arith.constant 0 : i32
    %dma_start3A_120 = tpu.memref_slice %arg4[%add3A_118, %dma_start3A_119] : memref<32768x1024xf32, #tpu.memory_space<hbm>> -> memref<8x1024xf32, #tpu.memory_space<hbm>>
    %dma_start3A_121 = arith.constant 0 : i32
    %dma_start3A_122 = tpu.memref_slice %arg4[%add3A_118, %dma_start3A_121] : memref<32768x1024xf32, #tpu.memory_space<hbm>> -> memref<8x1024xf32, #tpu.memory_space<hbm>>
    tpu.enqueue_dma source(%arg12 : memref<8x1024xf32, #tpu.memory_space<vmem>>) target(%dma_start3A_122 : memref<8x1024xf32, #tpu.memory_space<hbm>>) target_semaphore(%arg28 : memref<!tpu.dma_semaphore, #tpu.memory_space<semaphore_mem>>)
    %dma_wait3A_123 = arith.constant 1016 : i32
    %dma_wait3A_124 = tpu.memref_slice %arg5[%dma_wait3A_123] : memref<1024xi32, #tpu.memory_space<vmem>> -> memref<8xi32, #tpu.memory_space<vmem>>
    %dma_wait3A_125 = arith.constant 0 : i32
    %dma_wait3A_126 = arith.constant 0 : i32
    %dma_wait3A_127 = tpu.memref_slice %arg3[%dma_wait3A_125, %dma_wait3A_126] : memref<8192x1024xf32, #tpu.memory_space<hbm>> -> memref<8192x1024xf32, #tpu.memory_space<hbm>>
    tpu.wait_indirect_dma semaphore(%arg21 : memref<!tpu.dma_semaphore, #tpu.memory_space<semaphore_mem>>) src(%dma_wait3A_127 : memref<8192x1024xf32, #tpu.memory_space<hbm>>) dst(%arg13 : memref<8x1024xf32, #tpu.memory_space<vmem>>)
    %add3A_128 = arith.constant 1016 : i32
    %add3A_129 = arith.addi %mul3A_2, %add3A_128 : i32
    %dma_start3A_130 = arith.constant 0 : i32
    %dma_start3A_131 = tpu.memref_slice %arg4[%add3A_129, %dma_start3A_130] : memref<32768x1024xf32, #tpu.memory_space<hbm>> -> memref<8x1024xf32, #tpu.memory_space<hbm>>
    %dma_start3A_132 = arith.constant 0 : i32
    %dma_start3A_133 = tpu.memref_slice %arg4[%add3A_129, %dma_start3A_132] : memref<32768x1024xf32, #tpu.memory_space<hbm>> -> memref<8x1024xf32, #tpu.memory_space<hbm>>
    tpu.enqueue_dma source(%arg13 : memref<8x1024xf32, #tpu.memory_space<vmem>>) target(%dma_start3A_133 : memref<8x1024xf32, #tpu.memory_space<hbm>>) target_semaphore(%arg29 : memref<!tpu.dma_semaphore, #tpu.memory_space<semaphore_mem>>)
    %add3A_134 = arith.constant 960 : i32
    %add3A_135 = arith.addi %mul3A_2, %add3A_134 : i32
    %dma_wait3A_136 = arith.constant 0 : i32
    %dma_wait3A_137 = tpu.memref_slice %arg4[%add3A_135, %dma_wait3A_136] : memref<32768x1024xf32, #tpu.memory_space<hbm>> -> memref<8x1024xf32, #tpu.memory_space<hbm>>
    %dma_wait3A_138 = arith.constant 0 : i32
    %dma_wait3A_139 = tpu.memref_slice %arg4[%add3A_135, %dma_wait3A_138] : memref<32768x1024xf32, #tpu.memory_space<hbm>> -> memref<8x1024xf32, #tpu.memory_space<hbm>>
    tpu.wait_dma2 semaphore(%arg22 : memref<!tpu.dma_semaphore, #tpu.memory_space<semaphore_mem>>) src(%arg6 : memref<8x1024xf32, #tpu.memory_space<vmem>>) dst(%dma_wait3A_139 : memref<8x1024xf32, #tpu.memory_space<hbm>>)
    %add3A_140 = arith.constant 968 : i32
    %add3A_141 = arith.addi %mul3A_2, %add3A_140 : i32
    %dma_wait3A_142 = arith.constant 0 : i32
    %dma_wait3A_143 = tpu.memref_slice %arg4[%add3A_141, %dma_wait3A_142] : memref<32768x1024xf32, #tpu.memory_space<hbm>> -> memref<8x1024xf32, #tpu.memory_space<hbm>>
    %dma_wait3A_144 = arith.constant 0 : i32
    %dma_wait3A_145 = tpu.memref_slice %arg4[%add3A_141, %dma_wait3A_144] : memref<32768x1024xf32, #tpu.memory_space<hbm>> -> memref<8x1024xf32, #tpu.memory_space<hbm>>
    tpu.wait_dma2 semaphore(%arg23 : memref<!tpu.dma_semaphore, #tpu.memory_space<semaphore_mem>>) src(%arg7 : memref<8x1024xf32, #tpu.memory_space<vmem>>) dst(%dma_wait3A_145 : memref<8x1024xf32, #tpu.memory_space<hbm>>)
    %add3A_146 = arith.constant 976 : i32
    %add3A_147 = arith.addi %mul3A_2, %add3A_146 : i32
    %dma_wait3A_148 = arith.constant 0 : i32
    %dma_wait3A_149 = tpu.memref_slice %arg4[%add3A_147, %dma_wait3A_148] : memref<32768x1024xf32, #tpu.memory_space<hbm>> -> memref<8x1024xf32, #tpu.memory_space<hbm>>
    %dma_wait3A_150 = arith.constant 0 : i32
    %dma_wait3A_151 = tpu.memref_slice %arg4[%add3A_147, %dma_wait3A_150] : memref<32768x1024xf32, #tpu.memory_space<hbm>> -> memref<8x1024xf32, #tpu.memory_space<hbm>>
    tpu.wait_dma2 semaphore(%arg24 : memref<!tpu.dma_semaphore, #tpu.memory_space<semaphore_mem>>) src(%arg8 : memref<8x1024xf32, #tpu.memory_space<vmem>>) dst(%dma_wait3A_151 : memref<8x1024xf32, #tpu.memory_space<hbm>>)
    %add3A_152 = arith.constant 984 : i32
    %add3A_153 = arith.addi %mul3A_2, %add3A_152 : i32
    %dma_wait3A_154 = arith.constant 0 : i32
    %dma_wait3A_155 = tpu.memref_slice %arg4[%add3A_153, %dma_wait3A_154] : memref<32768x1024xf32, #tpu.memory_space<hbm>> -> memref<8x1024xf32, #tpu.memory_space<hbm>>
    %dma_wait3A_156 = arith.constant 0 : i32
    %dma_wait3A_157 = tpu.memref_slice %arg4[%add3A_153, %dma_wait3A_156] : memref<32768x1024xf32, #tpu.memory_space<hbm>> -> memref<8x1024xf32, #tpu.memory_space<hbm>>
    tpu.wait_dma2 semaphore(%arg25 : memref<!tpu.dma_semaphore, #tpu.memory_space<semaphore_mem>>) src(%arg9 : memref<8x1024xf32, #tpu.memory_space<vmem>>) dst(%dma_wait3A_157 : memref<8x1024xf32, #tpu.memory_space<hbm>>)
    %add3A_158 = arith.constant 992 : i32
    %add3A_159 = arith.addi %mul3A_2, %add3A_158 : i32
    %dma_wait3A_160 = arith.constant 0 : i32
    %dma_wait3A_161 = tpu.memref_slice %arg4[%add3A_159, %dma_wait3A_160] : memref<32768x1024xf32, #tpu.memory_space<hbm>> -> memref<8x1024xf32, #tpu.memory_space<hbm>>
    %dma_wait3A_162 = arith.constant 0 : i32
    %dma_wait3A_163 = tpu.memref_slice %arg4[%add3A_159, %dma_wait3A_162] : memref<32768x1024xf32, #tpu.memory_space<hbm>> -> memref<8x1024xf32, #tpu.memory_space<hbm>>
    tpu.wait_dma2 semaphore(%arg26 : memref<!tpu.dma_semaphore, #tpu.memory_space<semaphore_mem>>) src(%arg10 : memref<8x1024xf32, #tpu.memory_space<vmem>>) dst(%dma_wait3A_163 : memref<8x1024xf32, #tpu.memory_space<hbm>>)
    %add3A_164 = arith.constant 1000 : i32
    %add3A_165 = arith.addi %mul3A_2, %add3A_164 : i32
    %dma_wait3A_166 = arith.constant 0 : i32
    %dma_wait3A_167 = tpu.memref_slice %arg4[%add3A_165, %dma_wait3A_166] : memref<32768x1024xf32, #tpu.memory_space<hbm>> -> memref<8x1024xf32, #tpu.memory_space<hbm>>
    %dma_wait3A_168 = arith.constant 0 : i32
    %dma_wait3A_169 = tpu.memref_slice %arg4[%add3A_165, %dma_wait3A_168] : memref<32768x1024xf32, #tpu.memory_space<hbm>> -> memref<8x1024xf32, #tpu.memory_space<hbm>>
    tpu.wait_dma2 semaphore(%arg27 : memref<!tpu.dma_semaphore, #tpu.memory_space<semaphore_mem>>) src(%arg11 : memref<8x1024xf32, #tpu.memory_space<vmem>>) dst(%dma_wait3A_169 : memref<8x1024xf32, #tpu.memory_space<hbm>>)
    %add3A_170 = arith.constant 1008 : i32
    %add3A_171 = arith.addi %mul3A_2, %add3A_170 : i32
    %dma_wait3A_172 = arith.constant 0 : i32
    %dma_wait3A_173 = tpu.memref_slice %arg4[%add3A_171, %dma_wait3A_172] : memref<32768x1024xf32, #tpu.memory_space<hbm>> -> memref<8x1024xf32, #tpu.memory_space<hbm>>
    %dma_wait3A_174 = arith.constant 0 : i32
    %dma_wait3A_175 = tpu.memref_slice %arg4[%add3A_171, %dma_wait3A_174] : memref<32768x1024xf32, #tpu.memory_space<hbm>> -> memref<8x1024xf32, #tpu.memory_space<hbm>>
    tpu.wait_dma2 semaphore(%arg28 : memref<!tpu.dma_semaphore, #tpu.memory_space<semaphore_mem>>) src(%arg12 : memref<8x1024xf32, #tpu.memory_space<vmem>>) dst(%dma_wait3A_175 : memref<8x1024xf32, #tpu.memory_space<hbm>>)
    %add3A_176 = arith.constant 1016 : i32
    %add3A_177 = arith.addi %mul3A_2, %add3A_176 : i32
    %dma_wait3A_178 = arith.constant 0 : i32
    %dma_wait3A_179 = tpu.memref_slice %arg4[%add3A_177, %dma_wait3A_178] : memref<32768x1024xf32, #tpu.memory_space<hbm>> -> memref<8x1024xf32, #tpu.memory_space<hbm>>
    %dma_wait3A_180 = arith.constant 0 : i32
    %dma_wait3A_181 = tpu.memref_slice %arg4[%add3A_177, %dma_wait3A_180] : memref<32768x1024xf32, #tpu.memory_space<hbm>> -> memref<8x1024xf32, #tpu.memory_space<hbm>>
    tpu.wait_dma2 semaphore(%arg29 : memref<!tpu.dma_semaphore, #tpu.memory_space<semaphore_mem>>) src(%arg13 : memref<8x1024xf32, #tpu.memory_space<vmem>>) dst(%dma_wait3A_181 : memref<8x1024xf32, #tpu.memory_space<hbm>>)
    return
  }
}

</mosaic_0001>

<sc_bundles>
// kernel: kernel.3.cloned.1.call-start
scs
__scs_entry_jumppad:
0x0: {  	(pc) =	sbr.rel $0x88, $3  }
0x1: {  	(tag) =	ssettag $0x0;
	lr =	simm.s32 $0x1  }
0x2: {  	[smem:$0x3F9F] =	sst lr;
	_ =	strace $0xD0000000  }
0x3: {  	_ = 	snop  }
0x4: {  	_ = 	snop  }
0x5: {  	_ = 	snop  }
0x6: {  	_ = 	snop  }
0x7: {  	_ = 	snop  }
__scs_overlays_trampoline_lowered:
0x8: {  	[smem:$0x3FAE] =	sst s0  }
0x9: {  	[smem:$0x3FAF] =	sst s1  }
0xa: {  	[smem:$0x3FB0] =	sst s2  }
0xb: {  	[smem:$0x3FB1] =	sst s3  }
0xc: {  	[smem:$0x3FB2] =	sst s4  }
0xd: {  	[smem:$0x3FB3] =	sst s5  }
0xe: {  	[smem:$0x3FB4] =	sst s6  }
0xf: {  	[smem:$0x3FB5] =	sst s7  }
0x10: {  	[smem:$0x3FB6] =	sst s8  }
0x11: {  	[smem:$0x3FB7] =	sst s9;
	s0 =	simm.s32 @!p0 $0x0  }
0x12: {  	s1 =	sld [smem:$0x3F9D];
	s0 =	simm.s32 @p0 $0x1  }
0x13: {  	[smem:$0x3FB8] =	sst s0;
	s0 =	simm.s32 @!p1 $0x0  }
0x14: {  	s2 =	sld [smem:$0x3F9C];
	s0 =	simm.s32 @p1 $0x1  }
0x15: {  	[smem:$0x3FB9] =	sst s0;
	s0 =	simm.s32 @!p2 $0x0  }
0x16: {  	s3 =	sld [smem:$0x3FDB];
	s0 =	simm.s32 @p2 $0x1  }
0x17: {  	s4 =	simm.s32 $0x1BF5;
	[smem:$0x3FBB] =	sst s0  }
0x18: {  	s0 =	sld [smem:$0x3F9E];
	_ =	swait.ge [sflag:s4], $0x0  }
0x19: {  	s7 =	sld [smem:$0x3F9F]  }
0x1a: {  	s8 =	sadd.s32 $0xFFFFE003, lr  }
0x1b: {  	s9 =	sadd.s32 $0xFFFFFEF7, lr;
	s5 =	simm.s32 $0xFFFFFFFF;
	p2 =	slt.u32 s8, $0xFFFFF086  }
0x1c: {  	p1 =	slt.u32 s9, $0xF7A;
	s5 =	simm.s32 @!p2 $0x0  }
0x1d: {  	s5 =	simm.s32 @p1 $0x1;
	p0 =	seq.s32 s7, s2  }
0x1e: {  	s7 =	smul.u32 @!p0 $0xF7A, s2;
	p2 =	seq.s32 @!p0 s5, $0x0  }
0x1f: {  	s9 =	smul.u32 $0xF7A, s1;
	s8 =	simm.s32 @!p0 $0x1BF5;
	p2 =	por !p2, p0  }
0x20: {  	[sflag:s8] =	ssyncset.s32 @!p0 $0xFFFFF086;
	s6 =	sadd.s32 @!p0 s3, s7;
	s7 =	simm.s32 @!p0 $0x108  }
0x21: {  	s3 =	sadd.s32 s3, s9;
	s6 =	sadd.s32 @!p0 $0x88, s6;
	s7 =	simm.s32 @p2 $0x1082  }
0x22: {  	[simem:s7], [sflag:s8] =	dma.local @!p0 [hbm:s6], $0xF7A  }
0x23: {  	s9 =	sor.u32 $0xD0000000, s2;
	s6 =	simm.s32 $0x108;
	_ =	swait.ge @!p0 [sflag:s8], $0x0  }
0x24: {  	s3 =	sadd.s32 $0x88, s3;
	s6 =	simm.s32 @!p1 $0x1082;
	[sflag:s4] =	ssyncset.s32 $0xFFFFF086  }
0x25: {  	[simem:s6], [sflag:s4] =	dma.local [hbm:s3], $0xF7A  }
0x26: {  	[smem:$0x3F9F] =	sst s1;
	(tag) =	ssettag s2;
	_ =	strace s9  }
0x27: {  	s1 =	sld [smem:$0x3FAF]  }
0x28: {  	s2 =	sld [smem:$0x3FB0]  }
0x29: {  	s4 =	sld [smem:$0x3FB2]  }
0x2a: {  	p0 =	seq.s32 s5, $0x0;
	s5 =	sld [smem:$0x3FB3]  }
0x2b: {  	s6 =	sld [smem:$0x3FB4]  }
0x2c: {  	s7 =	sld [smem:$0x3FB5]  }
0x2d: {  	s3 =	simm.s32 $0x108;
	s8 =	sld [smem:$0x3FB6]  }
0x2e: {  	s3 =	simm.s32 @!p0 $0x1082;
	s9 =	sld [smem:$0x3FB7]  }
0x2f: {  	lr =	sadd.s32 s0, s3;
	s0 =	sld [smem:$0x3FAE]  }
0x30: {  	s3 =	sld [smem:$0x3FB1]  }
0x31: {  	[smem:$0x3FBA] =	sst s10  }
0x32: {  	s10 =	sld [smem:$0x3FB8];
	_ =	sdelay $0x3  }
0x33: {  	p0 =	seq.s32 s10, $0x1;
	s10 =	sld [smem:$0x3FBA];
	_ =	sdelay $0x3  }
0x34: {  	[smem:$0x3FBA] =	sst s10  }
0x35: {  	s10 =	sld [smem:$0x3FB9];
	_ =	sdelay $0x3  }
0x36: {  	p1 =	seq.s32 s10, $0x1;
	s10 =	sld [smem:$0x3FBA];
	_ =	sdelay $0x3  }
0x37: {  	[smem:$0x3FBA] =	sst s10  }
0x38: {  	s10 =	sld [smem:$0x3FBB]  }
0x39: {  	_ = 	snop;
	(pc) =	sbr.ind lr, $3  }
0x3a: {  	_ = 	snop  }
0x3b: {  	_ = 	snop  }
0x3c: {  	p2 =	seq.s32 s10, $0x1;
	s10 =	sld [smem:$0x3FBA]  }
0x3d: {  	_ =	shalt  }
0x3e: {  	_ =	shalt  }
0x3f: {  	_ =	shalt  }
0x40: {  	_ =	shalt  }
0x41: {  	_ =	shalt  }
0x42: {  	_ =	shalt  }
0x43: {  	_ =	shalt  }
0x44: {  	_ =	shalt  }
0x45: {  	_ =	shalt  }
0x46: {  	_ =	shalt  }
0x47: {  	_ =	shalt  }
0x48: {  	_ =	shalt  }
0x49: {  	_ =	shalt  }
0x4a: {  	_ =	shalt  }
0x4b: {  	_ =	shalt  }
0x4c: {  	_ =	shalt  }
0x4d: {  	_ =	shalt  }
0x4e: {  	_ =	shalt  }
0x4f: {  	_ =	shalt  }
0x50: {  	_ =	shalt  }
0x51: {  	_ =	shalt  }
0x52: {  	_ =	shalt  }
0x53: {  	_ =	shalt  }
0x54: {  	_ =	shalt  }
0x55: {  	_ =	shalt  }
0x56: {  	_ =	shalt  }
0x57: {  	_ =	shalt  }
0x58: {  	_ =	shalt  }
0x59: {  	_ =	shalt  }
0x5a: {  	_ =	shalt  }
0x5b: {  	_ =	shalt  }
0x5c: {  	_ =	shalt  }
0x5d: {  	_ =	shalt  }
0x5e: {  	_ =	shalt  }
0x5f: {  	_ =	shalt  }
0x60: {  	_ =	shalt  }
0x61: {  	_ =	shalt  }
0x62: {  	_ =	shalt  }
0x63: {  	_ =	shalt  }
0x64: {  	_ =	shalt  }
0x65: {  	_ =	shalt  }
0x66: {  	_ =	shalt  }
0x67: {  	_ =	shalt  }
0x68: {  	_ =	shalt  }
0x69: {  	_ =	shalt  }
0x6a: {  	_ =	shalt  }
0x6b: {  	_ =	shalt  }
0x6c: {  	_ =	shalt  }
0x6d: {  	_ =	shalt  }
0x6e: {  	_ =	shalt  }
0x6f: {  	_ =	shalt  }
0x70: {  	_ =	shalt  }
0x71: {  	_ =	shalt  }
0x72: {  	_ =	shalt  }
0x73: {  	_ =	shalt  }
0x74: {  	_ =	shalt  }
0x75: {  	_ =	shalt  }
0x76: {  	_ =	shalt  }
0x77: {  	_ =	shalt  }
0x78: {  	_ =	shalt  }
0x79: {  	_ =	shalt  }
0x7a: {  	_ =	shalt  }
0x7b: {  	_ =	shalt  }
0x7c: {  	_ =	shalt  }
0x7d: {  	_ =	shalt  }
0x7e: {  	_ =	shalt  }
0x7f: {  	_ =	shalt  }
0x80: {  	_ =	shalt  }
0x81: {  	_ =	shalt  }
0x82: {  	_ =	shalt  }
0x83: {  	_ =	shalt  }
0x84: {  	_ =	shalt  }
0x85: {  	_ =	shalt  }
0x86: {  	_ =	shalt  }
0x87: {  	_ =	shalt  }
.Lfunc_end0:
.L_simem_size_0:
called_computation_lowered:
.L_overlay_start_0:
0x88: {  	s2 =	sld [smem:$0x3FD9]  }
0x89: {  	s3 =	sld [smem:$0x3FFE];
	_ =	sdelay $0x1  }
0x8a: {  	s1 =	srdreg.scid  }
0x8b: {  	s0 =	sand.u32 $0x1, s1  }
0x8c: {  	s17 =	sshll.u32 s0, $0xA;
	s2 =	sadd.s32 s3, s2  }
0x8d: {  	s2 =	sadd.s32 s2, s17  }
0x8e: {  	[smem:$0x3FC6] =	sst s2  }
0x8f: {  	_ = 	snop  }
0x90: {  	s2 =	sld [smem:$0x3FC8]  }
0x91: {  	s18 =	sld [smem:$0x3FD0];
	(tm) =	ssettm $0x1  }
0x92: {  	s4 =	sld [smem:$0x3FFB];
	_ =	sdelay $0x3  }
0x93: {  	_ =	strace s4  }
0x94: {  	s4 =	sld [smem:$0x3FFC];
	_ =	sdelay $0x3  }
0x95: {  	_ =	strace s4  }
0x96: {  	s4 =	sld [smem:$0x3FFD];
	_ =	sdelay $0x3  }
0x97: {  	_ =	strace s4  }
0x98: {  	_ =	strace $0x8FFFFFFF  }
0x99: {  	s19 =	sld [smem:$0x3FDB];
	_ =	sdelay $0x1  }
0x9a: {  	s5 =	simm.s32 $_scs_section_size  }
0x9b: {  	s6 =	simm.s32 $_size__tile_overlayer_lowered;
	s7 =	simm.s32 $_tile_overlayer_lowered  }
0x9c: {  	s22 =	simm.s32 $0x1BFF;
	s21 =	sshll.u32 s7, $0x1;
	s4 =	sadd.s32 s5, s19  }
0x9d: {  	s8 =	simm.s32 $0x0;
	s20 =	sshll.u32 s6, $0x1;
	s6 =	sadd.s32 s21, s4  }
0x9e: {  	[timem:s8], [sflag:s22] =	dma.local [hbm:s6], s20  }
0x9f: {  	_ =	swait.ge [sflag:s22], s20  }
0xa0: {  	s5 =	ssub.s32 $0x0, s20;
	[sflag:s22] =	ssyncset.done $0x0  }
0xa1: {  	[sflag:s22] =	ssyncadd.s32 s5;
	_ =	sdelay $0x1  }
0xa2: {  	s23 =	simm.s32 $0x1B8B  }
0xa3: {  	_ =	swait.ge [sflag:s23], $0x1  }
0xa4: {  	[sflag:s23] =	ssyncset.done $0x0  }
0xa5: {  	s25 =	simm.s32 $0x1B8E;
	s24 =	sld [smem:$0x3FFE];
	[sflag:s23] =	ssyncadd.s32 $0xFFFFFFFF  }
0xa6: {  	s26 =	simm.s32 $execute0_lowered;
	[smem:$0x3FD2] =	sst s25  }
0xa7: {  	s6 =	sshll.u32 s26, $0x1;
	_ =	strace $0x80000046;
	[dreg:$0x1] =	wrdreg $0xFFFFFFFF  }
0xa8: {  	s28 =	simm.s32 $_size_execute0_lowered;
	s4 =	sadd.s32 s4, s6;
	[dreg:$0x0] =	wrdreg $0x0  }
0xa9: {  	s6 =	sshll.u32 s28, $0x1;
	[dreg:$0x2] =	wrdreg s4  }
0xaa: {  	[dreg:$0x3] =	wrdreg s6  }
0xab: {  	[dreg:$0x4] =	wrdreg $0xC0  }
0xac: {  	_ =	task [dreg:s8], $0x5FFFF  }
0xad: {  	[dreg:$0x1] =	wrdreg $0xFFFFFFFF  }
0xae: {  	[dreg:$0x0] =	wrdreg $0x60  }
0xaf: {  	[dreg:$0x2] =	wrdreg s24  }
0xb0: {  	[dreg:$0x3] =	wrdreg s2  }
0xb1: {  	[dreg:$0x4] =	wrdreg s18  }
0xb2: {  	[dreg:$0x5] =	wrdreg $0x9  }
0xb3: {  	_ =	task.clear_ibuf [dreg:s8], $0x6FFFF;
	_ =	strace $0x90000046  }
0xb4: {  	s29 =	simm.s32 $0x9;
	_ =	strace $0x80000048  }
0xb5: {  	_ =	swait.ge [sflag:s29], $0x1  }
0xb6: {  	[sflag:s29] =	ssyncadd.s32 $0xFFFFFFFF  }
0xb7: {  	_ =	strace $0x90000048  }
0xb8: {  	_ =	sfence  }
0xb9: {  	s30 =	sld [smem:$0x0];
	_ =	sdelay $0x2  }
0xba: {  	s31 =	sshll.u32 s1, $0xD;
	s1 =	sshrl.u32 s1, $0x2  }
0xbb: {  	s3 =	sand.u32 $0x4000, s31;
	s1 =	sadd.s32 s1, s30  }
0xbc: {  	s0 =	sor.u32 s3, s0;
	s1 =	sshll.u32 s1, $0x11  }
0xbd: {  	s0 =	sor.u32 s1, s0  }
0xbe: {  	s0 =	sadd.s32 $0x8F2B, s0  }
0xbf: {  	[sflag:s0] =	ssyncadd.remote.s32 $0x1  }
0xc0: {  	_ =	sfence.sel $0xFFFF  }
0xc1: {  	[dreg:$0x0] =	wrdreg $0xFFFFFFFF;
	(pc) =	sbr.abs _section_cstart, $3  }
0xc2: {  	[dreg:$0x1] =	wrdreg $0xFFFFFFFF  }
0xc3: {  	_ =	task.clear_ibuf [dreg:s8], $0x2FFFF;
	_ =	strace $0x9FFFFFFF  }
0xc4: {  	(tm) =	ssettm $0x7FFFFFFF  }
0xc5: {  	_ =	shalt  }
tec
execute0_lowered:
.L_overlay_start_1:
0x0: {  	(tag) =	ssettag $0x1  }
0x1: {  	s0 =	rddreg [dreg:$0x0]  }
0x2: {  	s2 =	rddreg [dreg:$0x1]  }
0x3: {  	s1 =	rddreg [dreg:$0x2]  }
0x4: {  	s3 =	srdreg.scid;
	s9 =	stileid.u32;
	s13 =	simm.s32 $0xC00  }
0x5: {  	s11 =	simm.s32 $0x3C00;
	s12 =	simm.s32 $0x4400;
	s31 =	simm.s32 $0x6400  }
0x6: {  	s28 =	simm.s32 $0xA400;
	s29 =	simm.s32 $0xAC00;
	s30 =	simm.s32 $0xCC00  }
0x7: {  	s14 =	simm.s32 $0xB;
	s15 =	simm.s32 $0x4;
	s4 =	sand.u32 $0x1, s3  }
0x8: {  	s3 =	simm.s32 $0x0;
	s5 =	sshll.u32 s9, $0xB;
	s9 =	sshll.u32 s9, $0x12  }
0x9: {  	s6 =	sshll.u32 s4, $0xA;
	[smem:$0x7FF] =	sst s3;
	s16 =	ssub.s32 $0x2, s4  }
0xa: {  	s4 =	sshll.u32 s4, $0x11;
	s5 =	sor.u32 s6, s5;
	_ =	strace $0x80000047  }
0xb: {  	s8 =	sshrl.u32 s16, $0x1;
	s6 =	sadd.s32 $0x200, s2;
	s7 =	sshrl.u32 s5, $0x3  }
0xc: {  	s8 =	ssub.s32 s16, s8;
	s17 =	sshll.u32 s5, $0x7;
	s5 =	sadd.s32 $0x100, s2  }
0xd: {  	s16 =	simm.s32 $0x8400;
	s0 =	sadd.s32 s7, s0;
	s25 =	smax.u32 s8, $0x1  }
0xe: {  	s18 =	sadd.s32 s17, s1;
	s0 =	sadd.s32 $0x400, s0;
	[dreg:$0xe] =	wrdreg s25  }
0xf: {  	s7 =	sadd.s32 $0x300, s2;
	s10 =	sadd.s32 $0x1E000, s18;
	[dreg:$0x5] =	wrdreg s0  }
0x10: {  	s1 =	sadd.s32 s9, s1;
	s19 =	sadd.s32 $0x1E400, s18;
	[dreg:$0x6] =	wrdreg s10  }
0x11: {  	s8 =	simm.s32 $0x2400;
	s20 =	sadd.s32 $0x1E800, s18;
	[dreg:$0x7] =	wrdreg s19  }
0x12: {  	s9 =	simm.s32 $0x2C00;
	s21 =	sadd.s32 $0x1EC00, s18;
	[dreg:$0x8] =	wrdreg s20  }
0x13: {  	s17 =	simm.s32 $0x8;
	s22 =	sadd.s32 $0x1F000, s18;
	[dreg:$0x9] =	wrdreg s21  }
0x14: {  	s23 =	sadd.s32 $0x1F400, s18;
	s24 =	sadd.s32 $0x1F800, s18;
	[dreg:$0xa] =	wrdreg s22  }
0x15: {  	s26 =	sadd.s32 s4, s1;
	s25 =	simm.s32 $0x1C00;
	[dreg:$0xb] =	wrdreg s23  }
0x16: {  	s1 =	simm.s32 $0xEC00;
	s4 =	simm.s32 $0x0;
	[dreg:$0xc] =	wrdreg s24  }
0x17: {  	s0 =	sadd.s32 $0x1FC00, s18;
	[dreg:$0x4] =	wrdreg s26;
	s26 =	simm.s32 $0x400  }
0x18: {  	v0 =	vlaneseq.u32;
	s24 =	simm.s32 $0x1400;
	s10 =	simm.s32 $0x3400;
	s21 =	simm.s32 $0x8C00  }
0x19: {  	v1 =	vshrl.u32 v0, $0x3;
	s22 =	simm.s32 $0xC400;
	s19 =	simm.s32 $0x5;
	s23 =	simm.s32 $0x6  }
0x1a: {  	vm0 =	vmmov $0xffff;
	v0 =	vand.u32 $0x7, v0;
	v1 =	vmul.u32 $0x8, v1;
	s20 =	simm.s32 $0x7;
	[dreg:$0xd] =	wrdreg s0;
	s0 =	simm.s32 $0xE400  }
.LBB2_1:
0x1b: {  	[dreg:$0xf] =	wrdreg s4  }
0x1c: {  	s18 =	rddreg [dreg:$0x5];
	s4 =	simm.s32 $0x11  }
0x1d: {  	[tilespmem:s3], [sflag:$0x11] =	stream.linear.gather [hbm4b:s18+s3], $0x400, $0x38;
	[tilespmem:$0x10400] =	vst v63  }
0x1e: {  	_ =	swait.ge [sflag:s4], $0x400  }
0x1f: {  	[sflag:s4] =	ssyncset.done $0x0  }
0x20: {  	[sflag:s4] =	ssyncadd.s32 $0xFFFFFC00  }
0x21: {  	v2 =	vld.msk [tilespmem:$0x0], $0xff;
	_ =	sdelay $0x4  }
0x22: {  	v3 =	vshll.u32 v2, $0x3  }
0x23: {  	v2 =	vand.u32 $0x7, v2;
	v3 =	vand.u32 $0xFFFFFFC0, v3  }
0x24: {  	v2 =	vor.u32 v2, v3  }
0x25: {  	v2 =	vperm.xlane v2, v0;
	_ =	sdelay $0x1  }
0x26: {  	v2 =	vadd.s32 v1, v2;
	_ =	sdelay $0x4  }
0x27: {  	[tilespmem:s26], [sflag:$0x1] =	stream.indirect_vreg.gather [hbm4b:s2+s3], $0x80, v2, vm0, $0xb8;
	[tilespmem:$0x10400] =	vst v63  }
0x28: {  	_ = 	snop  }
0x29: {  	[tilespmem:s13], [sflag:$0x1] =	stream.indirect_vreg.gather [hbm4b:s5+s3], $0x80, v2, vm0, $0xb8;
	[tilespmem:$0x10400] =	vst v63  }
0x2a: {  	_ = 	snop  }
0x2b: {  	[tilespmem:s24], [sflag:$0x1] =	stream.indirect_vreg.gather [hbm4b:s6+s3], $0x80, v2, vm0, $0xb8;
	[tilespmem:$0x10400] =	vst v63  }
0x2c: {  	_ = 	snop  }
0x2d: {  	[tilespmem:s25], [sflag:$0x1] =	stream.indirect_vreg.gather [hbm4b:s7+s3], $0x80, v2, vm0, $0xb8;
	[tilespmem:$0x10400] =	vst v63  }
0x2e: {  	v2 =	vld.msk [tilespmem:$0x8], $0xff;
	_ =	sdelay $0x4  }
0x2f: {  	v3 =	vshll.u32 v2, $0x3  }
0x30: {  	v2 =	vand.u32 $0x7, v2;
	v3 =	vand.u32 $0xFFFFFFC0, v3  }
0x31: {  	v2 =	vor.u32 v2, v3  }
0x32: {  	v2 =	vperm.xlane v2, v0;
	_ =	sdelay $0x1  }
0x33: {  	v2 =	vadd.s32 v1, v2;
	_ =	sdelay $0x4  }
0x34: {  	[tilespmem:s8], [sflag:$0x2] =	stream.indirect_vreg.gather [hbm4b:s2+s3], $0x80, v2, vm0, $0xb8;
	[tilespmem:$0x10400] =	vst v63  }
0x35: {  	_ = 	snop  }
0x36: {  	[tilespmem:s9], [sflag:$0x2] =	stream.indirect_vreg.gather [hbm4b:s5+s3], $0x80, v2, vm0, $0xb8;
	[tilespmem:$0x10400] =	vst v63  }
0x37: {  	_ = 	snop  }
0x38: {  	[tilespmem:s10], [sflag:$0x2] =	stream.indirect_vreg.gather [hbm4b:s6+s3], $0x80, v2, vm0, $0xb8;
	[tilespmem:$0x10400] =	vst v63  }
0x39: {  	_ = 	snop  }
0x3a: {  	[tilespmem:s11], [sflag:$0x2] =	stream.indirect_vreg.gather [hbm4b:s7+s3], $0x80, v2, vm0, $0xb8;
	[tilespmem:$0x10400] =	vst v63  }
0x3b: {  	v2 =	vld.msk [tilespmem:$0x10], $0xff;
	_ =	sdelay $0x4  }
0x3c: {  	v3 =	vshll.u32 v2, $0x3  }
0x3d: {  	v2 =	vand.u32 $0x7, v2;
	v3 =	vand.u32 $0xFFFFFFC0, v3  }
0x3e: {  	v2 =	vor.u32 v2, v3  }
0x3f: {  	v2 =	vperm.xlane v2, v0;
	_ =	sdelay $0x1  }
0x40: {  	v2 =	vadd.s32 v1, v2;
	_ =	sdelay $0x4  }
0x41: {  	[tilespmem:s12], [sflag:$0x3] =	stream.indirect_vreg.gather [hbm4b:s2+s3], $0x80, v2, vm0, $0xb8;
	[tilespmem:$0x10400] =	vst v63  }
0x42: {  	s9 =	simm.s32 $0x4C00  }
0x43: {  	[tilespmem:s9], [sflag:$0x3] =	stream.indirect_vreg.gather [hbm4b:s5+s3], $0x80, v2, vm0, $0xb8;
	[tilespmem:$0x10400] =	vst v63  }
0x44: {  	s10 =	simm.s32 $0x5400  }
0x45: {  	[tilespmem:s10], [sflag:$0x3] =	stream.indirect_vreg.gather [hbm4b:s6+s3], $0x80, v2, vm0, $0xb8;
	[tilespmem:$0x10400] =	vst v63  }
0x46: {  	s11 =	simm.s32 $0x5C00  }
0x47: {  	[tilespmem:s11], [sflag:$0x3] =	stream.indirect_vreg.gather [hbm4b:s7+s3], $0x80, v2, vm0, $0xb8;
	[tilespmem:$0x10400] =	vst v63  }
0x48: {  	v2 =	vld.msk [tilespmem:$0x18], $0xff;
	_ =	sdelay $0x4  }
0x49: {  	v3 =	vshll.u32 v2, $0x3  }
0x4a: {  	v2 =	vand.u32 $0x7, v2;
	v3 =	vand.u32 $0xFFFFFFC0, v3  }
0x4b: {  	v2 =	vor.u32 v2, v3  }
0x4c: {  	v2 =	vperm.xlane v2, v0;
	_ =	sdelay $0x1  }
0x4d: {  	v2 =	vadd.s32 v1, v2;
	_ =	sdelay $0x4  }
0x4e: {  	[tilespmem:s31], [sflag:$0x4] =	stream.indirect_vreg.gather [hbm4b:s2+s3], $0x80, v2, vm0, $0xb8;
	[tilespmem:$0x10400] =	vst v63  }
0x4f: {  	s12 =	simm.s32 $0x6C00  }
0x50: {  	[tilespmem:s12], [sflag:$0x4] =	stream.indirect_vreg.gather [hbm4b:s5+s3], $0x80, v2, vm0, $0xb8;
	[tilespmem:$0x10400] =	vst v63  }
0x51: {  	s13 =	simm.s32 $0x7400  }
0x52: {  	[tilespmem:s13], [sflag:$0x4] =	stream.indirect_vreg.gather [hbm4b:s6+s3], $0x80, v2, vm0, $0xb8;
	[tilespmem:$0x10400] =	vst v63  }
0x53: {  	s18 =	simm.s32 $0x7C00  }
0x54: {  	[tilespmem:s18], [sflag:$0x4] =	stream.indirect_vreg.gather [hbm4b:s7+s3], $0x80, v2, vm0, $0xb8;
	[tilespmem:$0x10400] =	vst v63  }
0x55: {  	v2 =	vld.msk [tilespmem:$0x20], $0xff;
	_ =	sdelay $0x4  }
0x56: {  	v3 =	vshll.u32 v2, $0x3  }
0x57: {  	v2 =	vand.u32 $0x7, v2;
	v3 =	vand.u32 $0xFFFFFFC0, v3  }
0x58: {  	v2 =	vor.u32 v2, v3  }
0x59: {  	v2 =	vperm.xlane v2, v0;
	_ =	sdelay $0x1  }
0x5a: {  	v2 =	vadd.s32 v1, v2;
	_ =	sdelay $0x4  }
0x5b: {  	[tilespmem:s16], [sflag:$0x5] =	stream.indirect_vreg.gather [hbm4b:s2+s3], $0x80, v2, vm0, $0xb8;
	[tilespmem:$0x10400] =	vst v63  }
0x5c: {  	_ = 	snop  }
0x5d: {  	[tilespmem:s21], [sflag:$0x5] =	stream.indirect_vreg.gather [hbm4b:s5+s3], $0x80, v2, vm0, $0xb8;
	[tilespmem:$0x10400] =	vst v63  }
0x5e: {  	s21 =	simm.s32 $0x9400  }
0x5f: {  	[tilespmem:s21], [sflag:$0x5] =	stream.indirect_vreg.gather [hbm4b:s6+s3], $0x80, v2, vm0, $0xb8;
	[tilespmem:$0x10400] =	vst v63  }
0x60: {  	s24 =	simm.s32 $0x9C00  }
0x61: {  	[tilespmem:s24], [sflag:$0x5] =	stream.indirect_vreg.gather [hbm4b:s7+s3], $0x80, v2, vm0, $0xb8;
	[tilespmem:$0x10400] =	vst v63  }
0x62: {  	v2 =	vld.msk [tilespmem:$0x28], $0xff;
	_ =	sdelay $0x4  }
0x63: {  	v3 =	vshll.u32 v2, $0x3  }
0x64: {  	v2 =	vand.u32 $0x7, v2;
	v3 =	vand.u32 $0xFFFFFFC0, v3  }
0x65: {  	v2 =	vor.u32 v2, v3  }
0x66: {  	v2 =	vperm.xlane v2, v0;
	_ =	sdelay $0x1  }
0x67: {  	v2 =	vadd.s32 v1, v2;
	_ =	sdelay $0x4  }
0x68: {  	[tilespmem:s28], [sflag:$0x6] =	stream.indirect_vreg.gather [hbm4b:s2+s3], $0x80, v2, vm0, $0xb8;
	[tilespmem:$0x10400] =	vst v63  }
0x69: {  	_ = 	snop  }
0x6a: {  	[tilespmem:s29], [sflag:$0x6] =	stream.indirect_vreg.gather [hbm4b:s5+s3], $0x80, v2, vm0, $0xb8;
	[tilespmem:$0x10400] =	vst v63  }
0x6b: {  	s25 =	simm.s32 $0xB400  }
0x6c: {  	[tilespmem:s25], [sflag:$0x6] =	stream.indirect_vreg.gather [hbm4b:s6+s3], $0x80, v2, vm0, $0xb8;
	[tilespmem:$0x10400] =	vst v63  }
0x6d: {  	s26 =	simm.s32 $0xBC00  }
0x6e: {  	[tilespmem:s26], [sflag:$0x6] =	stream.indirect_vreg.gather [hbm4b:s7+s3], $0x80, v2, vm0, $0xb8;
	[tilespmem:$0x10400] =	vst v63  }
0x6f: {  	v2 =	vld.msk [tilespmem:$0x30], $0xff;
	_ =	sdelay $0x4  }
0x70: {  	v3 =	vshll.u32 v2, $0x3  }
0x71: {  	v2 =	vand.u32 $0x7, v2;
	v3 =	vand.u32 $0xFFFFFFC0, v3  }
0x72: {  	v2 =	vor.u32 v2, v3  }
0x73: {  	v2 =	vperm.xlane v2, v0;
	_ =	sdelay $0x1  }
0x74: {  	v2 =	vadd.s32 v1, v2;
	_ =	sdelay $0x4  }
0x75: {  	[tilespmem:s22], [sflag:$0x7] =	stream.indirect_vreg.gather [hbm4b:s2+s3], $0x80, v2, vm0, $0xb8;
	[tilespmem:$0x10400] =	vst v63  }
0x76: {  	_ = 	snop  }
0x77: {  	[tilespmem:s30], [sflag:$0x7] =	stream.indirect_vreg.gather [hbm4b:s5+s3], $0x80, v2, vm0, $0xb8;
	[tilespmem:$0x10400] =	vst v63  }
0x78: {  	s28 =	simm.s32 $0xD400  }
0x79: {  	[tilespmem:s28], [sflag:$0x7] =	stream.indirect_vreg.gather [hbm4b:s6+s3], $0x80, v2, vm0, $0xb8;
	[tilespmem:$0x10400] =	vst v63  }
0x7a: {  	s29 =	simm.s32 $0xDC00  }
0x7b: {  	[tilespmem:s29], [sflag:$0x7] =	stream.indirect_vreg.gather [hbm4b:s7+s3], $0x80, v2, vm0, $0xb8;
	[tilespmem:$0x10400] =	vst v63  }
0x7c: {  	v2 =	vld.msk [tilespmem:$0x38], $0xff;
	_ =	sdelay $0x4  }
0x7d: {  	v3 =	vshll.u32 v2, $0x3  }
0x7e: {  	v2 =	vand.u32 $0x7, v2;
	v3 =	vand.u32 $0xFFFFFFC0, v3  }
0x7f: {  	v2 =	vor.u32 v2, v3  }
0x80: {  	v2 =	vperm.xlane v2, v0;
	_ =	sdelay $0x1  }
0x81: {  	v2 =	vadd.s32 v1, v2;
	_ =	sdelay $0x4  }
0x82: {  	[tilespmem:s0], [sflag:$0x8] =	stream.indirect_vreg.gather [hbm4b:s2+s3], $0x80, v2, vm0, $0xb8;
	[tilespmem:$0x10400] =	vst v63  }
0x83: {  	s4 =	simm.s32 $0x1;
	s9 =	simm.s32 $0x9;
	s10 =	simm.s32 $0x2  }
0x84: {  	[tilespmem:s1], [sflag:$0x8] =	stream.indirect_vreg.gather [hbm4b:s5+s3], $0x80, v2, vm0, $0xb8;
	[tilespmem:$0x10400] =	vst v63  }
0x85: {  	s11 =	simm.s32 $0xA;
	s31 =	simm.s32 $0xFC00;
	s30 =	simm.s32 $0xF400  }
0x86: {  	[tilespmem:s30], [sflag:$0x8] =	stream.indirect_vreg.gather [hbm4b:s6+s3], $0x80, v2, vm0, $0xb8;
	[tilespmem:$0x10400] =	vst v63  }
0x87: {  	s13 =	simm.s32 $0x3;
	s24 =	simm.s32 $0x78;
	s25 =	simm.s32 $0x0  }
0x88: {  	[tilespmem:s31], [sflag:$0x8] =	stream.indirect_vreg.gather [hbm4b:s7+s3], $0x80, v2, vm0, $0xb8;
	[tilespmem:$0x10400] =	vst v63  }
.LBB2_2:
0x89: {  	_ =	swait.ge [sflag:s4], $0x2000  }
0x8a: {  	s18 =	rddreg [dreg:$0x4];
	[sflag:s4] =	ssyncset.done $0x0  }
0x8b: {  	s22 =	simm.s32 $0x400;
	[sflag:s4] =	ssyncadd.s32 $0xFFFFE000;
	s18 =	sadd.s32 s25, s18  }
0x8c: {  	[hbm4b:s18+s3] =	stream.linear.scatter [tilespmem:s22], [sflag:$0x9], $0x2000, $0x38;
	[tilespmem:$0x10400] =	vst v63  }
0x8d: {  	_ =	swait.ge [sflag:s9], $0x2000  }
0x8e: {  	[sflag:s9] =	ssyncset.done $0x0  }
0x8f: {  	[sflag:s9] =	ssyncadd.s32 $0xFFFFE000  }
0x90: {  	v2 =	vld.msk [tilespmem:s24+$0xFFFFFFC8], $0xff;
	_ =	sdelay $0x4  }
0x91: {  	v3 =	vshll.u32 v2, $0x3  }
0x92: {  	v2 =	vand.u32 $0x7, v2;
	v3 =	vand.u32 $0xFFFFFFC0, v3  }
0x93: {  	v2 =	vor.u32 v2, v3  }
0x94: {  	v2 =	vperm.xlane v2, v0;
	_ =	sdelay $0x1  }
0x95: {  	v2 =	vadd.s32 v1, v2;
	_ =	sdelay $0x4  }
0x96: {  	[tilespmem:s22], [sflag:$0x1] =	stream.indirect_vreg.gather [hbm4b:s2+s3], $0x80, v2, vm0, $0xb8;
	[tilespmem:$0x10400] =	vst v63  }
0x97: {  	s0 =	simm.s32 $0xC00  }
0x98: {  	[tilespmem:s0], [sflag:$0x1] =	stream.indirect_vreg.gather [hbm4b:s5+s3], $0x80, v2, vm0, $0xb8;
	[tilespmem:$0x10400] =	vst v63  }
0x99: {  	s8 =	simm.s32 $0x1400  }
0x9a: {  	[tilespmem:s8], [sflag:$0x1] =	stream.indirect_vreg.gather [hbm4b:s6+s3], $0x80, v2, vm0, $0xb8;
	[tilespmem:$0x10400] =	vst v63  }
0x9b: {  	s12 =	simm.s32 $0x1C00  }
0x9c: {  	[tilespmem:s12], [sflag:$0x1] =	stream.indirect_vreg.gather [hbm4b:s7+s3], $0x80, v2, vm0, $0xb8;
	[tilespmem:$0x10400] =	vst v63  }
0x9d: {  	_ =	swait.ge [sflag:s10], $0x2000  }
0x9e: {  	[sflag:s10] =	ssyncset.done $0x0  }
0x9f: {  	s16 =	sadd.s32 $0x400, s18;
	s12 =	simm.s32 $0x2400;
	[sflag:s10] =	ssyncadd.s32 $0xFFFFE000  }
0xa0: {  	[hbm4b:s16+s3] =	stream.linear.scatter [tilespmem:s12], [sflag:$0xA], $0x2000, $0x38;
	[tilespmem:$0x10400] =	vst v63  }
0xa1: {  	_ =	swait.ge [sflag:s11], $0x2000  }
0xa2: {  	[sflag:s11] =	ssyncset.done $0x0  }
0xa3: {  	[sflag:s11] =	ssyncadd.s32 $0xFFFFE000  }
0xa4: {  	v2 =	vld.msk [tilespmem:s24+$0xFFFFFFD0], $0xff;
	_ =	sdelay $0x4  }
0xa5: {  	v3 =	vshll.u32 v2, $0x3  }
0xa6: {  	v2 =	vand.u32 $0x7, v2;
	v3 =	vand.u32 $0xFFFFFFC0, v3  }
0xa7: {  	v2 =	vor.u32 v2, v3  }
0xa8: {  	v2 =	vperm.xlane v2, v0;
	_ =	sdelay $0x1  }
0xa9: {  	v2 =	vadd.s32 v1, v2;
	_ =	sdelay $0x4  }
0xaa: {  	[tilespmem:s12], [sflag:$0x2] =	stream.indirect_vreg.gather [hbm4b:s2+s3], $0x80, v2, vm0, $0xb8;
	[tilespmem:$0x10400] =	vst v63  }
0xab: {  	s21 =	simm.s32 $0x2C00  }
0xac: {  	[tilespmem:s21], [sflag:$0x2] =	stream.indirect_vreg.gather [hbm4b:s5+s3], $0x80, v2, vm0, $0xb8;
	[tilespmem:$0x10400] =	vst v63  }
0xad: {  	s22 =	simm.s32 $0x3400  }
0xae: {  	[tilespmem:s22], [sflag:$0x2] =	stream.indirect_vreg.gather [hbm4b:s6+s3], $0x80, v2, vm0, $0xb8;
	[tilespmem:$0x10400] =	vst v63  }
0xaf: {  	s1 =	simm.s32 $0x3C00  }
0xb0: {  	[tilespmem:s1], [sflag:$0x2] =	stream.indirect_vreg.gather [hbm4b:s7+s3], $0x80, v2, vm0, $0xb8;
	[tilespmem:$0x10400] =	vst v63  }
0xb1: {  	_ =	swait.ge [sflag:s13], $0x2000  }
0xb2: {  	[sflag:s13] =	ssyncset.done $0x0  }
0xb3: {  	s31 =	simm.s32 $0x4400;
	s12 =	sadd.s32 $0x800, s18;
	[sflag:s13] =	ssyncadd.s32 $0xFFFFE000  }
0xb4: {  	[hbm4b:s12+s3] =	stream.linear.scatter [tilespmem:s31], [sflag:$0xB], $0x2000, $0x38;
	[tilespmem:$0x10400] =	vst v63  }
0xb5: {  	_ =	swait.ge [sflag:s14], $0x2000  }
0xb6: {  	[sflag:s14] =	ssyncset.done $0x0  }
0xb7: {  	[sflag:s14] =	ssyncadd.s32 $0xFFFFE000  }
0xb8: {  	v2 =	vld.msk [tilespmem:s24+$0xFFFFFFD8], $0xff;
	_ =	sdelay $0x4  }
0xb9: {  	v3 =	vshll.u32 v2, $0x3  }
0xba: {  	v2 =	vand.u32 $0x7, v2;
	v3 =	vand.u32 $0xFFFFFFC0, v3  }
0xbb: {  	v2 =	vor.u32 v2, v3  }
0xbc: {  	v2 =	vperm.xlane v2, v0;
	_ =	sdelay $0x1  }
0xbd: {  	v2 =	vadd.s32 v1, v2;
	_ =	sdelay $0x4  }
0xbe: {  	[tilespmem:s31], [sflag:$0x3] =	stream.indirect_vreg.gather [hbm4b:s2+s3], $0x80, v2, vm0, $0xb8;
	[tilespmem:$0x10400] =	vst v63  }
0xbf: {  	s16 =	simm.s32 $0x4C00  }
0xc0: {  	[tilespmem:s16], [sflag:$0x3] =	stream.indirect_vreg.gather [hbm4b:s5+s3], $0x80, v2, vm0, $0xb8;
	[tilespmem:$0x10400] =	vst v63  }
0xc1: {  	s21 =	simm.s32 $0x5400  }
0xc2: {  	[tilespmem:s21], [sflag:$0x3] =	stream.indirect_vreg.gather [hbm4b:s6+s3], $0x80, v2, vm0, $0xb8;
	[tilespmem:$0x10400] =	vst v63  }
0xc3: {  	s22 =	simm.s32 $0x5C00  }
0xc4: {  	[tilespmem:s22], [sflag:$0x3] =	stream.indirect_vreg.gather [hbm4b:s7+s3], $0x80, v2, vm0, $0xb8;
	[tilespmem:$0x10400] =	vst v63  }
0xc5: {  	_ =	swait.ge [sflag:s15], $0x2000  }
0xc6: {  	s0 =	sadd.s32 $0xC00, s18;
	[sflag:s15] =	ssyncset.done $0x0  }
0xc7: {  	s1 =	simm.s32 $0xC;
	s16 =	simm.s32 $0x6400;
	[sflag:s15] =	ssyncadd.s32 $0xFFFFE000  }
0xc8: {  	[hbm4b:s0+s3] =	stream.linear.scatter [tilespmem:s16], [sflag:$0xC], $0x2000, $0x38;
	[tilespmem:$0x10400] =	vst v63  }
0xc9: {  	_ =	swait.ge [sflag:s1], $0x2000  }
0xca: {  	[sflag:s1] =	ssyncset.done $0x0  }
0xcb: {  	[sflag:s1] =	ssyncadd.s32 $0xFFFFE000  }
0xcc: {  	v2 =	vld.msk [tilespmem:s24+$0xFFFFFFE0], $0xff;
	_ =	sdelay $0x4  }
0xcd: {  	v3 =	vshll.u32 v2, $0x3  }
0xce: {  	v2 =	vand.u32 $0x7, v2;
	v3 =	vand.u32 $0xFFFFFFC0, v3  }
0xcf: {  	v2 =	vor.u32 v2, v3  }
0xd0: {  	v2 =	vperm.xlane v2, v0;
	_ =	sdelay $0x1  }
0xd1: {  	v2 =	vadd.s32 v1, v2;
	_ =	sdelay $0x4  }
0xd2: {  	[tilespmem:s16], [sflag:$0x4] =	stream.indirect_vreg.gather [hbm4b:s2+s3], $0x80, v2, vm0, $0xb8;
	[tilespmem:$0x10400] =	vst v63  }
0xd3: {  	s21 =	simm.s32 $0x6C00  }
0xd4: {  	[tilespmem:s21], [sflag:$0x4] =	stream.indirect_vreg.gather [hbm4b:s5+s3], $0x80, v2, vm0, $0xb8;
	[tilespmem:$0x10400] =	vst v63  }
0xd5: {  	s22 =	simm.s32 $0x7400  }
0xd6: {  	[tilespmem:s22], [sflag:$0x4] =	stream.indirect_vreg.gather [hbm4b:s6+s3], $0x80, v2, vm0, $0xb8;
	[tilespmem:$0x10400] =	vst v63  }
0xd7: {  	s1 =	simm.s32 $0x7C00  }
0xd8: {  	[tilespmem:s1], [sflag:$0x4] =	stream.indirect_vreg.gather [hbm4b:s7+s3], $0x80, v2, vm0, $0xb8;
	[tilespmem:$0x10400] =	vst v63  }
0xd9: {  	_ =	swait.ge [sflag:s19], $0x2000  }
0xda: {  	s16 =	sadd.s32 $0x1000, s18;
	[sflag:s19] =	ssyncset.done $0x0  }
0xdb: {  	s21 =	simm.s32 $0x8400;
	s22 =	simm.s32 $0xD;
	[sflag:s19] =	ssyncadd.s32 $0xFFFFE000  }
0xdc: {  	[hbm4b:s16+s3] =	stream.linear.scatter [tilespmem:s21], [sflag:$0xD], $0x2000, $0x38;
	[tilespmem:$0x10400] =	vst v63  }
0xdd: {  	_ =	swait.ge [sflag:s22], $0x2000  }
0xde: {  	[sflag:s22] =	ssyncset.done $0x0  }
0xdf: {  	[sflag:s22] =	ssyncadd.s32 $0xFFFFE000  }
0xe0: {  	v2 =	vld.msk [tilespmem:s24+$0xFFFFFFE8], $0xff;
	_ =	sdelay $0x4  }
0xe1: {  	v3 =	vshll.u32 v2, $0x3  }
0xe2: {  	v2 =	vand.u32 $0x7, v2;
	v3 =	vand.u32 $0xFFFFFFC0, v3  }
0xe3: {  	v2 =	vor.u32 v2, v3  }
0xe4: {  	v2 =	vperm.xlane v2, v0;
	_ =	sdelay $0x1  }
0xe5: {  	v2 =	vadd.s32 v1, v2;
	_ =	sdelay $0x4  }
0xe6: {  	[tilespmem:s21], [sflag:$0x5] =	stream.indirect_vreg.gather [hbm4b:s2+s3], $0x80, v2, vm0, $0xb8;
	[tilespmem:$0x10400] =	vst v63  }
0xe7: {  	s21 =	simm.s32 $0x8C00  }
0xe8: {  	[tilespmem:s21], [sflag:$0x5] =	stream.indirect_vreg.gather [hbm4b:s5+s3], $0x80, v2, vm0, $0xb8;
	[tilespmem:$0x10400] =	vst v63  }
0xe9: {  	s1 =	simm.s32 $0x9400  }
0xea: {  	[tilespmem:s1], [sflag:$0x5] =	stream.indirect_vreg.gather [hbm4b:s6+s3], $0x80, v2, vm0, $0xb8;
	[tilespmem:$0x10400] =	vst v63  }
0xeb: {  	s22 =	simm.s32 $0x9C00  }
0xec: {  	[tilespmem:s22], [sflag:$0x5] =	stream.indirect_vreg.gather [hbm4b:s7+s3], $0x80, v2, vm0, $0xb8;
	[tilespmem:$0x10400] =	vst v63  }
0xed: {  	_ =	swait.ge [sflag:s23], $0x2000  }
0xee: {  	s29 =	simm.s32 $0xA400;
	[sflag:s23] =	ssyncset.done $0x0  }
0xef: {  	s1 =	sadd.s32 $0x1400, s18;
	s22 =	simm.s32 $0xE;
	[sflag:s23] =	ssyncadd.s32 $0xFFFFE000  }
0xf0: {  	[hbm4b:s1+s3] =	stream.linear.scatter [tilespmem:s29], [sflag:$0xE], $0x2000, $0x38;
	[tilespmem:$0x10400] =	vst v63  }
0xf1: {  	_ =	swait.ge [sflag:s22], $0x2000  }
0xf2: {  	[sflag:s22] =	ssyncset.done $0x0  }
0xf3: {  	[sflag:s22] =	ssyncadd.s32 $0xFFFFE000  }
0xf4: {  	v2 =	vld.msk [tilespmem:s24+$0xFFFFFFF0], $0xff;
	_ =	sdelay $0x4  }
0xf5: {  	v3 =	vshll.u32 v2, $0x3  }
0xf6: {  	v2 =	vand.u32 $0x7, v2;
	v3 =	vand.u32 $0xFFFFFFC0, v3  }
0xf7: {  	v2 =	vor.u32 v2, v3  }
0xf8: {  	v2 =	vperm.xlane v2, v0;
	_ =	sdelay $0x1  }
0xf9: {  	v2 =	vadd.s32 v1, v2;
	_ =	sdelay $0x4  }
0xfa: {  	[tilespmem:s29], [sflag:$0x6] =	stream.indirect_vreg.gather [hbm4b:s2+s3], $0x80, v2, vm0, $0xb8;
	[tilespmem:$0x10400] =	vst v63  }
0xfb: {  	s29 =	simm.s32 $0xAC00  }
0xfc: {  	[tilespmem:s29], [sflag:$0x6] =	stream.indirect_vreg.gather [hbm4b:s5+s3], $0x80, v2, vm0, $0xb8;
	[tilespmem:$0x10400] =	vst v63  }
0xfd: {  	s1 =	simm.s32 $0xB400  }
0xfe: {  	[tilespmem:s1], [sflag:$0x6] =	stream.indirect_vreg.gather [hbm4b:s6+s3], $0x80, v2, vm0, $0xb8;
	[tilespmem:$0x10400] =	vst v63  }
0xff: {  	s22 =	simm.s32 $0xBC00  }
0x100: {  	[tilespmem:s22], [sflag:$0x6] =	stream.indirect_vreg.gather [hbm4b:s7+s3], $0x80, v2, vm0, $0xb8;
	[tilespmem:$0x10400] =	vst v63  }
0x101: {  	_ =	swait.ge [sflag:s20], $0x2000  }
0x102: {  	s30 =	simm.s32 $0xC400;
	[sflag:s20] =	ssyncset.done $0x0  }
0x103: {  	s1 =	sadd.s32 $0x1800, s18;
	s22 =	simm.s32 $0xF;
	[sflag:s20] =	ssyncadd.s32 $0xFFFFE000  }
0x104: {  	[hbm4b:s1+s3] =	stream.linear.scatter [tilespmem:s30], [sflag:$0xF], $0x2000, $0x38;
	[tilespmem:$0x10400] =	vst v63  }
0x105: {  	_ =	swait.ge [sflag:s22], $0x2000  }
0x106: {  	[sflag:s22] =	ssyncset.done $0x0  }
0x107: {  	[sflag:s22] =	ssyncadd.s32 $0xFFFFE000  }
0x108: {  	v2 =	vld.msk [tilespmem:s24+$0xFFFFFFF8], $0xff;
	_ =	sdelay $0x4  }
0x109: {  	v3 =	vshll.u32 v2, $0x3  }
0x10a: {  	v2 =	vand.u32 $0x7, v2;
	v3 =	vand.u32 $0xFFFFFFC0, v3  }
0x10b: {  	v2 =	vor.u32 v2, v3  }
0x10c: {  	v2 =	vperm.xlane v2, v0;
	_ =	sdelay $0x1  }
0x10d: {  	v2 =	vadd.s32 v1, v2;
	_ =	sdelay $0x4  }
0x10e: {  	[tilespmem:s30], [sflag:$0x7] =	stream.indirect_vreg.gather [hbm4b:s2+s3], $0x80, v2, vm0, $0xb8;
	[tilespmem:$0x10400] =	vst v63  }
0x10f: {  	s30 =	simm.s32 $0xCC00  }
0x110: {  	[tilespmem:s30], [sflag:$0x7] =	stream.indirect_vreg.gather [hbm4b:s5+s3], $0x80, v2, vm0, $0xb8;
	[tilespmem:$0x10400] =	vst v63  }
0x111: {  	s1 =	simm.s32 $0xD400  }
0x112: {  	[tilespmem:s1], [sflag:$0x7] =	stream.indirect_vreg.gather [hbm4b:s6+s3], $0x80, v2, vm0, $0xb8;
	[tilespmem:$0x10400] =	vst v63  }
0x113: {  	s1 =	simm.s32 $0xDC00  }
0x114: {  	[tilespmem:s1], [sflag:$0x7] =	stream.indirect_vreg.gather [hbm4b:s7+s3], $0x80, v2, vm0, $0xb8;
	[tilespmem:$0x10400] =	vst v63  }
0x115: {  	_ =	swait.ge [sflag:s17], $0x2000  }
0x116: {  	[sflag:s17] =	ssyncset.done $0x0  }
0x117: {  	s18 =	sadd.s32 $0x1C00, s18;
	s1 =	simm.s32 $0xE400;
	[sflag:s17] =	ssyncadd.s32 $0xFFFFE000  }
0x118: {  	[hbm4b:s18+s3] =	stream.linear.scatter [tilespmem:s1], [sflag:$0x10], $0x2000, $0x38;
	[tilespmem:$0x10400] =	vst v63  }
0x119: {  	s18 =	simm.s32 $0x10  }
0x11a: {  	_ =	swait.ge [sflag:s18], $0x2000  }
0x11b: {  	[sflag:s18] =	ssyncset.done $0x0  }
0x11c: {  	[sflag:s18] =	ssyncadd.s32 $0xFFFFE000  }
0x11d: {  	v2 =	vld.msk [tilespmem:s24+$0x0], $0xff;
	_ =	sdelay $0x4  }
0x11e: {  	v3 =	vshll.u32 v2, $0x3  }
0x11f: {  	v2 =	vand.u32 $0x7, v2;
	v3 =	vand.u32 $0xFFFFFFC0, v3  }
0x120: {  	v2 =	vor.u32 v2, v3  }
0x121: {  	v2 =	vperm.xlane v2, v0;
	_ =	sdelay $0x1  }
0x122: {  	v2 =	vadd.s32 v1, v2;
	_ =	sdelay $0x3  }
0x123: {  	s26 =	simm.s32 $0x400;
	s28 =	simm.s32 $0xA400;
	p0 =	sne.s32 s25, $0x1C000  }
0x124: {  	[tilespmem:s1], [sflag:$0x8] =	stream.indirect_vreg.gather [hbm4b:s2+s3], $0x80, v2, vm0, $0xb8;
	[tilespmem:$0x10400] =	vst v63  }
0x125: {  	s25 =	sadd.s32 $0x2000, s25;
	s8 =	simm.s32 $0x2400;
	s1 =	simm.s32 $0xEC00  }
0x126: {  	[tilespmem:s1], [sflag:$0x8] =	stream.indirect_vreg.gather [hbm4b:s5+s3], $0x80, v2, vm0, $0xb8;
	[tilespmem:$0x10400] =	vst v63  }
.Ltmp0:
0x127: {  	s12 =	simm.s32 $0x4400;
	s31 =	simm.s32 $0x6400;
	(pc) =	sbr.rel @p0 .LBB2_2-.Ltmp0, $4  }
0x128: {  	s0 =	simm.s32 $0xE400;
	s16 =	simm.s32 $0x8400;
	s18 =	simm.s32 $0xF400  }
0x129: {  	[tilespmem:s18], [sflag:$0x8] =	stream.indirect_vreg.gather [hbm4b:s6+s3], $0x80, v2, vm0, $0xb8;
	[tilespmem:$0x10400] =	vst v63  }
0x12a: {  	s22 =	simm.s32 $0xC400;
	s24 =	sadd.s32 $0x40, s24;
	s18 =	simm.s32 $0xFC00  }
0x12b: {  	[tilespmem:s18], [sflag:$0x8] =	stream.indirect_vreg.gather [hbm4b:s7+s3], $0x80, v2, vm0, $0xb8;
	[tilespmem:$0x10400] =	vst v63  }
0x12c: {  	_ =	swait.ge [sflag:s4], $0x2000  }
0x12d: {  	[sflag:s4] =	ssyncset.done $0x0  }
0x12e: {  	s18 =	rddreg [dreg:$0x6];
	[sflag:s4] =	ssyncadd.s32 $0xFFFFE000  }
0x12f: {  	[hbm4b:s18+s3] =	stream.linear.scatter [tilespmem:s26], [sflag:$0x9], $0x2000, $0x38;
	[tilespmem:$0x10400] =	vst v63  }
0x130: {  	_ =	swait.ge [sflag:s10], $0x2000  }
0x131: {  	[sflag:s10] =	ssyncset.done $0x0  }
0x132: {  	[sflag:s10] =	ssyncadd.s32 $0xFFFFE000;
	s10 =	rddreg [dreg:$0x7]  }
0x133: {  	[hbm4b:s10+s3] =	stream.linear.scatter [tilespmem:s8], [sflag:$0xA], $0x2000, $0x38;
	[tilespmem:$0x10400] =	vst v63  }
0x134: {  	_ =	swait.ge [sflag:s13], $0x2000  }
0x135: {  	[sflag:s13] =	ssyncset.done $0x0  }
0x136: {  	s24 =	rddreg [dreg:$0x8];
	[sflag:s13] =	ssyncadd.s32 $0xFFFFE000  }
0x137: {  	[hbm4b:s24+s3] =	stream.linear.scatter [tilespmem:s12], [sflag:$0xB], $0x2000, $0x38;
	[tilespmem:$0x10400] =	vst v63  }
0x138: {  	_ =	swait.ge [sflag:s15], $0x2000  }
0x139: {  	[sflag:s15] =	ssyncset.done $0x0  }
0x13a: {  	s25 =	rddreg [dreg:$0x9];
	[sflag:s15] =	ssyncadd.s32 $0xFFFFE000  }
0x13b: {  	[hbm4b:s25+s3] =	stream.linear.scatter [tilespmem:s31], [sflag:$0xC], $0x2000, $0x38;
	[tilespmem:$0x10400] =	vst v63  }
0x13c: {  	_ =	swait.ge [sflag:s19], $0x2000  }
0x13d: {  	[sflag:s19] =	ssyncset.done $0x0  }
0x13e: {  	s4 =	rddreg [dreg:$0xa];
	[sflag:s19] =	ssyncadd.s32 $0xFFFFE000  }
0x13f: {  	[hbm4b:s4+s3] =	stream.linear.scatter [tilespmem:s16], [sflag:$0xD], $0x2000, $0x38;
	[tilespmem:$0x10400] =	vst v63  }
0x140: {  	_ =	swait.ge [sflag:s23], $0x2000  }
0x141: {  	[sflag:s23] =	ssyncset.done $0x0  }
0x142: {  	s10 =	rddreg [dreg:$0xb];
	[sflag:s23] =	ssyncadd.s32 $0xFFFFE000  }
0x143: {  	[hbm4b:s10+s3] =	stream.linear.scatter [tilespmem:s28], [sflag:$0xE], $0x2000, $0x38;
	[tilespmem:$0x10400] =	vst v63  }
0x144: {  	_ =	swait.ge [sflag:s20], $0x2000  }
0x145: {  	[sflag:s20] =	ssyncset.done $0x0  }
0x146: {  	s13 =	rddreg [dreg:$0xc];
	[sflag:s20] =	ssyncadd.s32 $0xFFFFE000  }
0x147: {  	[hbm4b:s13+s3] =	stream.linear.scatter [tilespmem:s22], [sflag:$0xF], $0x2000, $0x38;
	[tilespmem:$0x10400] =	vst v63  }
0x148: {  	_ =	swait.ge [sflag:s17], $0x2000  }
0x149: {  	[sflag:s17] =	ssyncset.done $0x0  }
0x14a: {  	s24 =	rddreg [dreg:$0xd];
	[sflag:s17] =	ssyncadd.s32 $0xFFFFE000  }
0x14b: {  	[hbm4b:s24+s3] =	stream.linear.scatter [tilespmem:s0], [sflag:$0x10], $0x2000, $0x38;
	[tilespmem:$0x10400] =	vst v63  }
0x14c: {  	_ =	swait.ge [sflag:s9], $0x2000  }
0x14d: {  	[sflag:s9] =	ssyncset.done $0x0  }
0x14e: {  	[sflag:s9] =	ssyncadd.s32 $0xFFFFE000  }
0x14f: {  	_ =	swait.ge [sflag:s11], $0x2000  }
0x150: {  	[sflag:s11] =	ssyncset.done $0x0  }
0x151: {  	[sflag:s11] =	ssyncadd.s32 $0xFFFFE000  }
0x152: {  	_ =	swait.ge [sflag:s14], $0x2000  }
0x153: {  	[sflag:s14] =	ssyncset.done $0x0  }
0x154: {  	s25 =	simm.s32 $0xC;
	[sflag:s14] =	ssyncadd.s32 $0xFFFFE000  }
0x155: {  	_ =	swait.ge [sflag:s25], $0x2000  }
0x156: {  	[sflag:s25] =	ssyncset.done $0x0  }
0x157: {  	s9 =	simm.s32 $0xD;
	[sflag:s25] =	ssyncadd.s32 $0xFFFFE000  }
0x158: {  	_ =	swait.ge [sflag:s9], $0x2000  }
0x159: {  	[sflag:s9] =	ssyncset.done $0x0  }
0x15a: {  	s10 =	simm.s32 $0xE;
	[sflag:s9] =	ssyncadd.s32 $0xFFFFE000  }
0x15b: {  	_ =	swait.ge [sflag:s10], $0x2000  }
0x15c: {  	[sflag:s10] =	ssyncset.done $0x0  }
0x15d: {  	s11 =	simm.s32 $0xF;
	[sflag:s10] =	ssyncadd.s32 $0xFFFFE000  }
0x15e: {  	_ =	swait.ge [sflag:s11], $0x2000  }
0x15f: {  	[sflag:s11] =	ssyncset.done $0x0  }
0x160: {  	s13 =	simm.s32 $0x10;
	[sflag:s11] =	ssyncadd.s32 $0xFFFFE000  }
0x161: {  	_ =	swait.ge [sflag:s13], $0x2000  }
0x162: {  	s24 =	rddreg [dreg:$0xf]  }
0x163: {  	s25 =	rddreg [dreg:$0xe];
	s4 =	sadd.s32 $0x1, s24  }
0x164: {  	p0 =	sne.s32 s4, s25  }
.Ltmp1:
0x165: {  	_ = 	snop;
	(pc) =	sbr.rel @p0 .LBB2_1-.Ltmp1, $4  }
0x166: {  	_ = 	snop  }
0x167: {  	s9 =	simm.s32 $0x2C00;
	[sflag:s13] =	ssyncset.done $0x0  }
0x168: {  	s10 =	simm.s32 $0x3400;
	s11 =	simm.s32 $0x3C00;
	[sflag:s13] =	ssyncadd.s32 $0xFFFFE000  }
0x169: {  	s13 =	simm.s32 $0xC00;
	s24 =	simm.s32 $0x1400;
	s25 =	simm.s32 $0x1C00  }
0x16a: {  	_ =	sfence.sel $0x180000  }
0x16b: {  	[bflag:$0x0] =	sbarrier.arrive $0xFFFF  }
0x16c: {  	_ =	strace $0x90000047  }
0x16d: {  	s0 =	stileid.u32;
	[bflag:$0x2] =	sbarrier.arrive $0xFFFF  }
0x16e: {  	p0 =	sne.s32 s0, $0x0;
	s0 =	rddreg [dreg:$0x3]  }
0x16f: {  	s0 =	sadd.s32 @!p0 $0x100000, s0  }
0x170: {  	[sflag:s0] =	ssyncadd.tile.s32 @!p0 $0x1;
	_ =	shalt  }
.Lfunc_end2:
_tile_overlayer_lowered:
.L_overlay_start_2:
0x171: {  	(tag) =	ssettag $0x2  }
0x172: {  	s0 =	rddreg [dreg:$0x0];
	s2 =	stileid.u32  }
0x173: {  	s1 =	rddreg [dreg:$0x1];
	p0 =	sne.s32 s2, $0x0  }
0x174: {  	s3 =	rddreg [dreg:$0x2];
	[bflag:$0x3] =	sbarrier.arrive $0xFFFF;
	s2 =	simm.s32 @!p0 $0x1C11  }
0x175: {  	[timem:s3], [sflag:s2] =	dma.local @!p0 [hbm:s0], s1  }
0x176: {  	s0 =	simm.s32 @!p0 $0x11  }
0x177: {  	_ =	swait.ge @!p0 [sflag:s0], s1  }
0x178: {  	s1 =	ssub.s32 @!p0 $0x0, s1;
	[sflag:s0] =	ssyncset.done @!p0 $0x0  }
0x179: {  	[sflag:s0] =	ssyncadd.s32 @!p0 s1  }
0x17a: {  	[bflag:$0x3] =	sbarrier.arrive $0xFFFF  }
0x17b: {  	_ =	shalt  }

</sc_bundles>
